<compile_context>
chip_gen: v7x
topology: tpu7x:2x2x1
jax: 0.10.2.dev20260603
libtpu: 0.0.44.dev20260713+nightly
codegen_flags: <defaults>
</compile_context>

<pallas_src>
import functools

import jax
import jax.numpy as jnp
from jax import lax
from jax.experimental import pallas as pl
from jax.experimental.pallas import tpu as pltpu
from jax.experimental.pallas import tpu_sc as plsc

NC = 2
NS = 16
NW = NC * NS
D = 32
NI = 16384
NJ = 200
JB = NJ // 8
IBK = NI // 128
UPW = 2 * JB * IBK // NW
PITCH = 129


@jax.jit
def _gather(t4, emb):
  mesh = plsc.VectorSubcoreMesh(
      core_axis_name="c", subcore_axis_name="s", num_cores=NC, num_subcores=NS
  )

  @functools.partial(
      pl.kernel,
      out_type=jax.ShapeDtypeStruct((JB, 32, IBK, 8, 128), jnp.float32),
      mesh=mesh,
      scratch_types=[
          pltpu.VMEM((2, 512), jnp.int32),
          pltpu.VMEM((2, 512, D), jnp.float32),
          pltpu.VMEM((2, 16, 8, PITCH), jnp.float32),
          pltpu.SemaphoreType.DMA,
          pltpu.SemaphoreType.DMA,
          pltpu.SemaphoreType.DMA,
          pltpu.SemaphoreType.DMA,
      ],
      compiler_params=pltpu.CompilerParams(
          use_tc_tiling_on_sc=False,
          needs_layout_passes=False,
          disable_bounds_checks=True,
      ),
  )
  def k(t4_hbm, emb_hbm, out_hbm, idx_v, rows_v, trans_v,
        sg0, sg1, ss0, ss1):
    wid = lax.axis_index("s") * NC + lax.axis_index("c")
    u0 = wid * UPW
    sem_g = (sg0, sg1)
    sem_s = (ss0, ss1)

    iota16 = lax.iota(jnp.int32, 16)
    zero16 = jnp.bitwise_and(iota16, 0)
    kvecs = [iota16 + h * 16 for h in range(2)]
    kr_c = [jnp.bitwise_and(kv, 7) for kv in kvecs]
    jrkb_c = [[jr * 4 + jnp.right_shift(kv, 3) for kv in kvecs]
              for jr in range(4)]

    def out_slice(u):
      jb = u // (2 * IBK)
      ib = (u // 2) % IBK
      jh = u % 2
      return out_hbm.at[jb, pl.ds(jh * 16, 16), ib, :, :]

    def fire(u, slot):
      pltpu.sync_copy(t4_hbm.at[pl.ds(u * 512, 512)], idx_v.at[slot])
      pltpu.async_copy(emb_hbm.at[idx_v.at[slot]], rows_v.at[slot], sem_g[slot])

    def wait_gather(slot):
      pltpu.make_async_copy(
          emb_hbm.at[pl.ds(0, 512)], rows_v.at[slot], sem_g[slot]
      ).wait()

    def drain(u, slot, p):
      @pl.when(p > 0)
      def _():
        pltpu.make_async_copy(
            trans_v.at[slot].at[:, :, pl.ds(0, 128)], out_slice(u), sem_s[slot]
        ).wait()

      rows = rows_v.at[slot]
      tr = trans_v.at[slot]

      def tbody(ir, carry):
        irs = zero16 + ir
        for jr in range(4):
          row = jr * 128 + ir
          for h in range(2):
            v = rows[row, pl.ds(h * 16, 16)]
            plsc.store_scatter(tr, [jrkb_c[jr][h], kr_c[h], irs], v)
        return carry

      lax.fori_loop(0, 128, tbody, 0)
      pltpu.async_copy(
          tr.at[:, :, pl.ds(0, 128)], out_slice(u), sem_s[slot]
      )

    fire(u0, 0)

    def body(p, carry):
      u = u0 + 2 * p
      fire(u + 1, 1)
      wait_gather(0)
      drain(u, 0, p)

      @pl.when(p + 1 < UPW // 2)
      def _():
        fire(u + 2, 0)

      wait_gather(1)
      drain(u + 1, 1, p)
      return carry

    lax.fori_loop(0, UPW // 2, body, 0)
    for slot in range(2):
      pltpu.make_async_copy(
          trans_v.at[slot].at[:, :, pl.ds(0, 128)],
          out_slice(u0),
          sem_s[slot],
      ).wait()

  return k(t4, emb)


def kernel(t, emb):
  t4 = (
      t.astype(jnp.int32)
      .reshape(IBK, 128, JB, 8)
      .transpose(2, 0, 3, 1)
      .reshape(-1)
  )
  out5 = _gather(t4, emb)
  out6 = out5.reshape(JB, 8, 4, IBK, 8, 128)
  return out6.transpose(3, 5, 0, 1, 2, 4).reshape(NI, NJ, D)

# --- scband reference (transcript-rebuilt; emitter-appended) ---
"""Pipeline reference for scband-sinusoidal-embedding-56702158242309 (READ-ONLY COPY).

The authoritative reference and input builder live on the scoring server;
editing this copy changes nothing except your own understanding.
"""

import jax, jax.numpy as jnp
import numpy as np

EMB_SIZE = 1000000
DIM = 32

def _build_sinusoidal_table(emb_size, dim):
    position = np.arange(0, emb_size, dtype=np.float64)[:, None]
    div_term = np.exp(np.arange(0, dim, 2, dtype=np.float64) * -(np.log(10000.0) / dim))
    emb = np.zeros((emb_size, dim), dtype=np.float64)
    emb[:, 0::2] = np.sin(position * div_term)
    emb[:, 1::2] = np.cos(position * div_term)
    return jnp.asarray(emb.astype(np.float32))

def setup_inputs(seed: int = 0) -> dict:
    key = jax.random.key(seed)
    t = jax.random.randint(key, (16384, 200), 0, EMB_SIZE, dtype=jnp.int64)
    emb = _build_sinusoidal_table(EMB_SIZE, DIM)
    return {"t": t, "emb": emb}

def reference(t, emb):
    # SinusoidalEmbedding.forward: return self.emb[t % self.emb_size]
    idx = t % emb.shape[0]
    return jnp.take(emb, idx, axis=0)

if __name__ == "__main__":
    import jax
    _d = setup_inputs()
    print(jax.jit(kernel)(*tuple(_d.values())))

</pallas_src>

<mosaic_0001>
#map = affine_map<(d0, d1) -> (0)>
#map1 = affine_map<(d0, d1) -> (0, 0)>
#map2 = affine_map<(d0, d1) -> (0, 0, 0, 0, 0)>
module attributes {stable_mosaic.version = 14 : i64} {
  func.func @k(%arg0: i32, %arg1: i32, %arg2: memref<3276800xi32, #tpu.memory_space<hbm>>, %arg3: memref<1000000x32xf32, #tpu.memory_space<hbm>>, %arg4: memref<25x32x128x8x128xf32, #tpu.memory_space<hbm>>, %arg5: memref<2x512xi32, #tpu.memory_space<vmem>>, %arg6: memref<2x512x32xf32, #tpu.memory_space<vmem>>, %arg7: memref<2x16x8x129xf32, #tpu.memory_space<vmem>>, %arg8: memref<!tpu.dma_semaphore, #tpu.memory_space<semaphore_mem>>, %arg9: memref<!tpu.dma_semaphore, #tpu.memory_space<semaphore_mem>>, %arg10: memref<!tpu.dma_semaphore, #tpu.memory_space<semaphore_mem>>, %arg11: memref<!tpu.dma_semaphore, #tpu.memory_space<semaphore_mem>>) attributes {dimension_semantics = [#tpu.dimension_semantics<core_parallel>, #tpu.dimension_semantics<subcore_parallel>], iteration_bounds = array<i64: 2, 16>, scalar_prefetch = 0 : i64, scratch_operands = 7 : i64, tpu.core_type = #tpu.core_type<sc_vector_subcore>, window_params = [{transform_indices = #map}, {transform_indices = #map1}, {transform_indices = #map2}]} {
    %mul3A = arith.constant 2 : i32
    %mul3A_0 = arith.muli %arg1, %mul3A : i32
    %add3A = arith.addi %mul3A_0, %arg0 : i32
    %mul3A_1 = arith.constant 200 : i32
    %mul3A_2 = arith.muli %add3A, %mul3A_1 : i32
    %iota3A = tpu.iota {dimensions = array<i32: 0>} : vector<16xi32>
    %and3A = arith.constant 0 : i32
    %and3A_3 = vector.broadcast %and3A : i32 to vector<16xi32>
    %and3A_4 = arith.andi %iota3A, %and3A_3 : vector<16xi32>
    %add3A_5 = arith.constant 0 : i32
    %add3A_6 = vector.broadcast %add3A_5 : i32 to vector<16xi32>
    %add3A_7 = arith.addi %iota3A, %add3A_6 : vector<16xi32>
    %add3A_8 = arith.constant 16 : i32
    %add3A_9 = vector.broadcast %add3A_8 : i32 to vector<16xi32>
    %add3A_10 = arith.addi %iota3A, %add3A_9 : vector<16xi32>
    %and3A_11 = arith.constant 7 : i32
    %and3A_12 = vector.broadcast %and3A_11 : i32 to vector<16xi32>
    %and3A_13 = arith.andi %add3A_7, %and3A_12 : vector<16xi32>
    %and3A_14 = arith.constant 7 : i32
    %and3A_15 = vector.broadcast %and3A_14 : i32 to vector<16xi32>
    %and3A_16 = arith.andi %add3A_10, %and3A_15 : vector<16xi32>
    %shift_right_arithmetic3A = arith.constant 3 : i32
    %shift_right_arithmetic3A_17 = vector.broadcast %shift_right_arithmetic3A : i32 to vector<16xi32>
    %shift_right_arithmetic3A_18 = arith.shrsi %add3A_7, %shift_right_arithmetic3A_17 : vector<16xi32>
    %add3A_19 = arith.constant 0 : i32
    %add3A_20 = vector.broadcast %add3A_19 : i32 to vector<16xi32>
    %add3A_21 = arith.addi %add3A_20, %shift_right_arithmetic3A_18 : vector<16xi32>
    %shift_right_arithmetic3A_22 = arith.constant 3 : i32
    %shift_right_arithmetic3A_23 = vector.broadcast %shift_right_arithmetic3A_22 : i32 to vector<16xi32>
    %shift_right_arithmetic3A_24 = arith.shrsi %add3A_10, %shift_right_arithmetic3A_23 : vector<16xi32>
    %add3A_25 = arith.constant 0 : i32
    %add3A_26 = vector.broadcast %add3A_25 : i32 to vector<16xi32>
    %add3A_27 = arith.addi %add3A_26, %shift_right_arithmetic3A_24 : vector<16xi32>
    %shift_right_arithmetic3A_28 = arith.constant 3 : i32
    %shift_right_arithmetic3A_29 = vector.broadcast %shift_right_arithmetic3A_28 : i32 to vector<16xi32>
    %shift_right_arithmetic3A_30 = arith.shrsi %add3A_7, %shift_right_arithmetic3A_29 : vector<16xi32>
    %add3A_31 = arith.constant 4 : i32
    %add3A_32 = vector.broadcast %add3A_31 : i32 to vector<16xi32>
    %add3A_33 = arith.addi %add3A_32, %shift_right_arithmetic3A_30 : vector<16xi32>
    %shift_right_arithmetic3A_34 = arith.constant 3 : i32
    %shift_right_arithmetic3A_35 = vector.broadcast %shift_right_arithmetic3A_34 : i32 to vector<16xi32>
    %shift_right_arithmetic3A_36 = arith.shrsi %add3A_10, %shift_right_arithmetic3A_35 : vector<16xi32>
    %add3A_37 = arith.constant 4 : i32
    %add3A_38 = vector.broadcast %add3A_37 : i32 to vector<16xi32>
    %add3A_39 = arith.addi %add3A_38, %shift_right_arithmetic3A_36 : vector<16xi32>
    %shift_right_arithmetic3A_40 = arith.constant 3 : i32
    %shift_right_arithmetic3A_41 = vector.broadcast %shift_right_arithmetic3A_40 : i32 to vector<16xi32>
    %shift_right_arithmetic3A_42 = arith.shrsi %add3A_7, %shift_right_arithmetic3A_41 : vector<16xi32>
    %add3A_43 = arith.constant 8 : i32
    %add3A_44 = vector.broadcast %add3A_43 : i32 to vector<16xi32>
    %add3A_45 = arith.addi %add3A_44, %shift_right_arithmetic3A_42 : vector<16xi32>
    %shift_right_arithmetic3A_46 = arith.constant 3 : i32
    %shift_right_arithmetic3A_47 = vector.broadcast %shift_right_arithmetic3A_46 : i32 to vector<16xi32>
    %shift_right_arithmetic3A_48 = arith.shrsi %add3A_10, %shift_right_arithmetic3A_47 : vector<16xi32>
    %add3A_49 = arith.constant 8 : i32
    %add3A_50 = vector.broadcast %add3A_49 : i32 to vector<16xi32>
    %add3A_51 = arith.addi %add3A_50, %shift_right_arithmetic3A_48 : vector<16xi32>
    %shift_right_arithmetic3A_52 = arith.constant 3 : i32
    %shift_right_arithmetic3A_53 = vector.broadcast %shift_right_arithmetic3A_52 : i32 to vector<16xi32>
    %shift_right_arithmetic3A_54 = arith.shrsi %add3A_7, %shift_right_arithmetic3A_53 : vector<16xi32>
    %add3A_55 = arith.constant 12 : i32
    %add3A_56 = vector.broadcast %add3A_55 : i32 to vector<16xi32>
    %add3A_57 = arith.addi %add3A_56, %shift_right_arithmetic3A_54 : vector<16xi32>
    %shift_right_arithmetic3A_58 = arith.constant 3 : i32
    %shift_right_arithmetic3A_59 = vector.broadcast %shift_right_arithmetic3A_58 : i32 to vector<16xi32>
    %shift_right_arithmetic3A_60 = arith.shrsi %add3A_10, %shift_right_arithmetic3A_59 : vector<16xi32>
    %add3A_61 = arith.constant 12 : i32
    %add3A_62 = vector.broadcast %add3A_61 : i32 to vector<16xi32>
    %add3A_63 = arith.addi %add3A_62, %shift_right_arithmetic3A_60 : vector<16xi32>
    %mul3A_64 = arith.constant 512 : i32
    %mul3A_65 = arith.muli %mul3A_2, %mul3A_64 : i32
    %run_scoped3A = arith.constant 0 : i32
    "tpu.region"() ({
      %run_scoped3A_290 = tpu.sem_alloc : memref<!tpu.dma_semaphore, #tpu.memory_space<semaphore_mem>>
      %dma_start3A_291 = arith.constant 0 : i32
      %dma_start3A_292 = tpu.memref_slice %arg5[%run_scoped3A, %dma_start3A_291] : memref<2x512xi32, #tpu.memory_space<vmem>> -> memref<1x512xi32, #tpu.memory_space<vmem>>
      %dma_start3A_293 = tpu.memref_squeeze %dma_start3A_292 : memref<1x512xi32, #tpu.memory_space<vmem>> -> memref<512xi32, #tpu.memory_space<vmem>>
      %dma_start3A_294 = tpu.memref_slice %arg2[%mul3A_65] : memref<3276800xi32, #tpu.memory_space<hbm>> -> memref<512xi32, #tpu.memory_space<hbm>>
      %dma_start3A_295 = arith.constant 0 : i32
      %dma_start3A_296 = tpu.memref_slice %arg5[%run_scoped3A, %dma_start3A_295] : memref<2x512xi32, #tpu.memory_space<vmem>> -> memref<1x512xi32, #tpu.memory_space<vmem>>
      %dma_start3A_297 = tpu.memref_squeeze %dma_start3A_296 : memref<1x512xi32, #tpu.memory_space<vmem>> -> memref<512xi32, #tpu.memory_space<vmem>>
      %dma_start3A_298 = tpu.memref_slice %arg2[%mul3A_65] : memref<3276800xi32, #tpu.memory_space<hbm>> -> memref<512xi32, #tpu.memory_space<hbm>>
      tpu.enqueue_dma source(%dma_start3A_298 : memref<512xi32, #tpu.memory_space<hbm>>) target(%dma_start3A_297 : memref<512xi32, #tpu.memory_space<vmem>>) target_semaphore(%run_scoped3A_290 : memref<!tpu.dma_semaphore, #tpu.memory_space<semaphore_mem>>)
      %dma_wait3A_299 = arith.constant 0 : i32
      %dma_wait3A_300 = tpu.memref_slice %arg5[%run_scoped3A, %dma_wait3A_299] : memref<2x512xi32, #tpu.memory_space<vmem>> -> memref<1x512xi32, #tpu.memory_space<vmem>>
      %dma_wait3A_301 = tpu.memref_squeeze %dma_wait3A_300 : memref<1x512xi32, #tpu.memory_space<vmem>> -> memref<512xi32, #tpu.memory_space<vmem>>
      %dma_wait3A_302 = tpu.memref_slice %arg2[%mul3A_65] : memref<3276800xi32, #tpu.memory_space<hbm>> -> memref<512xi32, #tpu.memory_space<hbm>>
      %dma_wait3A_303 = arith.constant 0 : i32
      %dma_wait3A_304 = tpu.memref_slice %arg5[%run_scoped3A, %dma_wait3A_303] : memref<2x512xi32, #tpu.memory_space<vmem>> -> memref<1x512xi32, #tpu.memory_space<vmem>>
      %dma_wait3A_305 = tpu.memref_squeeze %dma_wait3A_304 : memref<1x512xi32, #tpu.memory_space<vmem>> -> memref<512xi32, #tpu.memory_space<vmem>>
      %dma_wait3A_306 = tpu.memref_slice %arg2[%mul3A_65] : memref<3276800xi32, #tpu.memory_space<hbm>> -> memref<512xi32, #tpu.memory_space<hbm>>
      tpu.wait_dma2 semaphore(%run_scoped3A_290 : memref<!tpu.dma_semaphore, #tpu.memory_space<semaphore_mem>>) src(%dma_wait3A_306 : memref<512xi32, #tpu.memory_space<hbm>>) dst(%dma_wait3A_305 : memref<512xi32, #tpu.memory_space<vmem>>)
      tpu.yield
    }) : () -> ()
    %dma_start3A = arith.constant 0 : i32
    %dma_start3A_66 = arith.constant 0 : i32
    %dma_start3A_67 = arith.constant 0 : i32
    %dma_start3A_68 = arith.constant 0 : i32
    %dma_start3A_69 = tpu.memref_slice %arg6[%dma_start3A_66, %dma_start3A_67, %dma_start3A_68] : memref<2x512x32xf32, #tpu.memory_space<vmem>> -> memref<1x512x32xf32, #tpu.memory_space<vmem>>
    %dma_start3A_70 = tpu.memref_squeeze %dma_start3A_69 : memref<1x512x32xf32, #tpu.memory_space<vmem>> -> memref<512x32xf32, #tpu.memory_space<vmem>>
    %dma_start3A_71 = arith.constant 0 : i32
    %dma_start3A_72 = tpu.memref_slice %arg5[%dma_start3A, %dma_start3A_71] : memref<2x512xi32, #tpu.memory_space<vmem>> -> memref<1x512xi32, #tpu.memory_space<vmem>>
    %dma_start3A_73 = tpu.memref_squeeze %dma_start3A_72 : memref<1x512xi32, #tpu.memory_space<vmem>> -> memref<512xi32, #tpu.memory_space<vmem>>
    %dma_start3A_74 = arith.constant 0 : i32
    %dma_start3A_75 = arith.constant 0 : i32
    %dma_start3A_76 = tpu.memref_slice %arg3[%dma_start3A_74, %dma_start3A_75] : memref<1000000x32xf32, #tpu.memory_space<hbm>> -> memref<1000000x32xf32, #tpu.memory_space<hbm>>
    tpu.enqueue_indirect_dma source(%dma_start3A_76 : memref<1000000x32xf32, #tpu.memory_space<hbm>>) target(%dma_start3A_70 : memref<512x32xf32, #tpu.memory_space<vmem>>) offsets(%dma_start3A_73 : memref<512xi32, #tpu.memory_space<vmem>>) semaphore(%arg8 : memref<!tpu.dma_semaphore, #tpu.memory_space<semaphore_mem>>)
    %scan3A = arith.constant 0 : i32
    %scan3A_77 = arith.constant 0 : i32
    %scan3A_78 = arith.constant 100 : i32
    %scan3A_79 = arith.addi %scan3A_77, %scan3A_78 : i32
    %scan3A_80 = arith.constant 1 : i32
    scf.for %scan3A_290 = %scan3A_77 to %scan3A_79 step %scan3A_80  : i32 {
      %mul3A_291 = arith.constant 2 : i32
      %mul3A_292 = arith.muli %mul3A_291, %scan3A_290 : i32
      %add3A_293 = arith.addi %mul3A_2, %mul3A_292 : i32
      %add3A_294 = arith.constant 1 : i32
      %add3A_295 = arith.addi %add3A_293, %add3A_294 : i32
      %mul3A_296 = arith.constant 512 : i32
      %mul3A_297 = arith.muli %add3A_295, %mul3A_296 : i32
      %run_scoped3A_298 = arith.constant 1 : i32
      "tpu.region"() ({
        %run_scoped3A_591 = tpu.sem_alloc : memref<!tpu.dma_semaphore, #tpu.memory_space<semaphore_mem>>
        %dma_start3A_592 = arith.constant 0 : i32
        %dma_start3A_593 = tpu.memref_slice %arg5[%run_scoped3A_298, %dma_start3A_592] : memref<2x512xi32, #tpu.memory_space<vmem>> -> memref<1x512xi32, #tpu.memory_space<vmem>>
        %dma_start3A_594 = tpu.memref_squeeze %dma_start3A_593 : memref<1x512xi32, #tpu.memory_space<vmem>> -> memref<512xi32, #tpu.memory_space<vmem>>
        %dma_start3A_595 = tpu.memref_slice %arg2[%mul3A_297] : memref<3276800xi32, #tpu.memory_space<hbm>> -> memref<512xi32, #tpu.memory_space<hbm>>
        %dma_start3A_596 = arith.constant 0 : i32
        %dma_start3A_597 = tpu.memref_slice %arg5[%run_scoped3A_298, %dma_start3A_596] : memref<2x512xi32, #tpu.memory_space<vmem>> -> memref<1x512xi32, #tpu.memory_space<vmem>>
        %dma_start3A_598 = tpu.memref_squeeze %dma_start3A_597 : memref<1x512xi32, #tpu.memory_space<vmem>> -> memref<512xi32, #tpu.memory_space<vmem>>
        %dma_start3A_599 = tpu.memref_slice %arg2[%mul3A_297] : memref<3276800xi32, #tpu.memory_space<hbm>> -> memref<512xi32, #tpu.memory_space<hbm>>
        tpu.enqueue_dma source(%dma_start3A_599 : memref<512xi32, #tpu.memory_space<hbm>>) target(%dma_start3A_598 : memref<512xi32, #tpu.memory_space<vmem>>) target_semaphore(%run_scoped3A_591 : memref<!tpu.dma_semaphore, #tpu.memory_space<semaphore_mem>>)
        %dma_wait3A_600 = arith.constant 0 : i32
        %dma_wait3A_601 = tpu.memref_slice %arg5[%run_scoped3A_298, %dma_wait3A_600] : memref<2x512xi32, #tpu.memory_space<vmem>> -> memref<1x512xi32, #tpu.memory_space<vmem>>
        %dma_wait3A_602 = tpu.memref_squeeze %dma_wait3A_601 : memref<1x512xi32, #tpu.memory_space<vmem>> -> memref<512xi32, #tpu.memory_space<vmem>>
        %dma_wait3A_603 = tpu.memref_slice %arg2[%mul3A_297] : memref<3276800xi32, #tpu.memory_space<hbm>> -> memref<512xi32, #tpu.memory_space<hbm>>
        %dma_wait3A_604 = arith.constant 0 : i32
        %dma_wait3A_605 = tpu.memref_slice %arg5[%run_scoped3A_298, %dma_wait3A_604] : memref<2x512xi32, #tpu.memory_space<vmem>> -> memref<1x512xi32, #tpu.memory_space<vmem>>
        %dma_wait3A_606 = tpu.memref_squeeze %dma_wait3A_605 : memref<1x512xi32, #tpu.memory_space<vmem>> -> memref<512xi32, #tpu.memory_space<vmem>>
        %dma_wait3A_607 = tpu.memref_slice %arg2[%mul3A_297] : memref<3276800xi32, #tpu.memory_space<hbm>> -> memref<512xi32, #tpu.memory_space<hbm>>
        tpu.wait_dma2 semaphore(%run_scoped3A_591 : memref<!tpu.dma_semaphore, #tpu.memory_space<semaphore_mem>>) src(%dma_wait3A_607 : memref<512xi32, #tpu.memory_space<hbm>>) dst(%dma_wait3A_606 : memref<512xi32, #tpu.memory_space<vmem>>)
        tpu.yield
      }) : () -> ()
      %dma_start3A_299 = arith.constant 1 : i32
      %dma_start3A_300 = arith.constant 1 : i32
      %dma_start3A_301 = arith.constant 0 : i32
      %dma_start3A_302 = arith.constant 0 : i32
      %dma_start3A_303 = tpu.memref_slice %arg6[%dma_start3A_300, %dma_start3A_301, %dma_start3A_302] : memref<2x512x32xf32, #tpu.memory_space<vmem>> -> memref<1x512x32xf32, #tpu.memory_space<vmem>>
      %dma_start3A_304 = tpu.memref_squeeze %dma_start3A_303 : memref<1x512x32xf32, #tpu.memory_space<vmem>> -> memref<512x32xf32, #tpu.memory_space<vmem>>
      %dma_start3A_305 = arith.constant 0 : i32
      %dma_start3A_306 = tpu.memref_slice %arg5[%dma_start3A_299, %dma_start3A_305] : memref<2x512xi32, #tpu.memory_space<vmem>> -> memref<1x512xi32, #tpu.memory_space<vmem>>
      %dma_start3A_307 = tpu.memref_squeeze %dma_start3A_306 : memref<1x512xi32, #tpu.memory_space<vmem>> -> memref<512xi32, #tpu.memory_space<vmem>>
      %dma_start3A_308 = arith.constant 0 : i32
      %dma_start3A_309 = arith.constant 0 : i32
      %dma_start3A_310 = tpu.memref_slice %arg3[%dma_start3A_308, %dma_start3A_309] : memref<1000000x32xf32, #tpu.memory_space<hbm>> -> memref<1000000x32xf32, #tpu.memory_space<hbm>>
      tpu.enqueue_indirect_dma source(%dma_start3A_310 : memref<1000000x32xf32, #tpu.memory_space<hbm>>) target(%dma_start3A_304 : memref<512x32xf32, #tpu.memory_space<vmem>>) offsets(%dma_start3A_307 : memref<512xi32, #tpu.memory_space<vmem>>) semaphore(%arg9 : memref<!tpu.dma_semaphore, #tpu.memory_space<semaphore_mem>>)
      %dma_wait3A_311 = arith.constant 0 : i32
      %dma_wait3A_312 = arith.constant 0 : i32
      %dma_wait3A_313 = arith.constant 0 : i32
      %dma_wait3A_314 = tpu.memref_slice %arg6[%dma_wait3A_311, %dma_wait3A_312, %dma_wait3A_313] : memref<2x512x32xf32, #tpu.memory_space<vmem>> -> memref<1x512x32xf32, #tpu.memory_space<vmem>>
      %dma_wait3A_315 = tpu.memref_squeeze %dma_wait3A_314 : memref<1x512x32xf32, #tpu.memory_space<vmem>> -> memref<512x32xf32, #tpu.memory_space<vmem>>
      %dma_wait3A_316 = arith.constant 0 : i32
      %dma_wait3A_317 = arith.constant 0 : i32
      %dma_wait3A_318 = tpu.memref_slice %arg3[%dma_wait3A_316, %dma_wait3A_317] : memref<1000000x32xf32, #tpu.memory_space<hbm>> -> memref<512x32xf32, #tpu.memory_space<hbm>>
      %dma_wait3A_319 = arith.constant 0 : i32
      %dma_wait3A_320 = arith.constant 0 : i32
      %dma_wait3A_321 = tpu.memref_slice %arg6[%dma_wait3A_311, %dma_wait3A_319, %dma_wait3A_320] : memref<2x512x32xf32, #tpu.memory_space<vmem>> -> memref<1x512x32xf32, #tpu.memory_space<vmem>>
      %dma_wait3A_322 = tpu.memref_squeeze %dma_wait3A_321 : memref<1x512x32xf32, #tpu.memory_space<vmem>> -> memref<512x32xf32, #tpu.memory_space<vmem>>
      %dma_wait3A_323 = arith.constant 0 : i32
      %dma_wait3A_324 = arith.constant 0 : i32
      %dma_wait3A_325 = tpu.memref_slice %arg3[%dma_wait3A_323, %dma_wait3A_324] : memref<1000000x32xf32, #tpu.memory_space<hbm>> -> memref<512x32xf32, #tpu.memory_space<hbm>>
      tpu.wait_dma2 semaphore(%arg8 : memref<!tpu.dma_semaphore, #tpu.memory_space<semaphore_mem>>) src(%dma_wait3A_325 : memref<512x32xf32, #tpu.memory_space<hbm>>) dst(%dma_wait3A_322 : memref<512x32xf32, #tpu.memory_space<vmem>>)
      %gt3A = arith.constant 0 : i32
      %gt3A_326 = arith.cmpi sgt, %scan3A_290, %gt3A : i32
      %convert_element_type3A = arith.extui %gt3A_326 : i1 to i32
      %cond3A = arith.constant 0 : i32
      %cond3A_327 = arith.cmpi ne, %convert_element_type3A, %cond3A : i32
      scf.if %cond3A_327 {
        %jit3A_591 = arith.constant 256 : i32
        %div3A_592 = arith.divsi %add3A_293, %jit3A_591 : i32
        %sign3A_593 = arith.constant 0 : i32
        %sign3A_594 = arith.cmpi sgt, %add3A_293, %sign3A_593 : i32
        %sign3A_595 = arith.extui %sign3A_594 : i1 to i32
        %sign3A_596 = arith.constant 0 : i32
        %sign3A_597 = arith.cmpi slt, %add3A_293, %sign3A_596 : i32
        %sign3A_598 = arith.extui %sign3A_597 : i1 to i32
        %sign3A_599 = arith.subi %sign3A_595, %sign3A_598 : i32
        %sign3A_600 = arith.constant 0 : i32
        %sign3A_601 = arith.cmpi sgt, %jit3A_591, %sign3A_600 : i32
        %sign3A_602 = arith.extui %sign3A_601 : i1 to i32
        %sign3A_603 = arith.constant 0 : i32
        %sign3A_604 = arith.cmpi slt, %jit3A_591, %sign3A_603 : i32
        %sign3A_605 = arith.extui %sign3A_604 : i1 to i32
        %sign3A_606 = arith.subi %sign3A_602, %sign3A_605 : i32
        %ne3A_607 = arith.cmpi ne, %sign3A_599, %sign3A_606 : i32
        %rem3A_608 = arith.remsi %add3A_293, %jit3A_591 : i32
        %ne3A_609 = arith.constant 0 : i32
        %ne3A_610 = arith.cmpi ne, %rem3A_608, %ne3A_609 : i32
        %and3A_611 = arith.andi %ne3A_607, %ne3A_610 : i1
        %sub3A_612 = arith.constant 1 : i32
        %sub3A_613 = arith.subi %div3A_592, %sub3A_612 : i32
        %select_n3A_614 = arith.select %and3A_611, %sub3A_613, %div3A_592 : i32
        %jit3A_615 = arith.constant 2 : i32
        %div3A_616 = arith.divsi %add3A_293, %jit3A_615 : i32
        %sign3A_617 = arith.constant 0 : i32
        %sign3A_618 = arith.cmpi sgt, %add3A_293, %sign3A_617 : i32
        %sign3A_619 = arith.extui %sign3A_618 : i1 to i32
        %sign3A_620 = arith.constant 0 : i32
        %sign3A_621 = arith.cmpi slt, %add3A_293, %sign3A_620 : i32
        %sign3A_622 = arith.extui %sign3A_621 : i1 to i32
        %sign3A_623 = arith.subi %sign3A_619, %sign3A_622 : i32
        %sign3A_624 = arith.constant 0 : i32
        %sign3A_625 = arith.cmpi sgt, %jit3A_615, %sign3A_624 : i32
        %sign3A_626 = arith.extui %sign3A_625 : i1 to i32
        %sign3A_627 = arith.constant 0 : i32
        %sign3A_628 = arith.cmpi slt, %jit3A_615, %sign3A_627 : i32
        %sign3A_629 = arith.extui %sign3A_628 : i1 to i32
        %sign3A_630 = arith.subi %sign3A_626, %sign3A_629 : i32
        %ne3A_631 = arith.cmpi ne, %sign3A_623, %sign3A_630 : i32
        %rem3A_632 = arith.remsi %add3A_293, %jit3A_615 : i32
        %ne3A_633 = arith.constant 0 : i32
        %ne3A_634 = arith.cmpi ne, %rem3A_632, %ne3A_633 : i32
        %and3A_635 = arith.andi %ne3A_631, %ne3A_634 : i1
        %sub3A_636 = arith.constant 1 : i32
        %sub3A_637 = arith.subi %div3A_616, %sub3A_636 : i32
        %select_n3A_638 = arith.select %and3A_635, %sub3A_637, %div3A_616 : i32
        %jit3A_639 = arith.constant 128 : i32
        %eq3A_640 = arith.constant 0 : i32
        %eq3A_641 = arith.cmpi eq, %jit3A_639, %eq3A_640 : i32
        %jit3A_642 = arith.constant 1 : i32
        %select_n3A_643 = arith.select %eq3A_641, %jit3A_642, %jit3A_639 : i32
        %rem3A_644 = arith.remsi %select_n3A_638, %select_n3A_643 : i32
        %ne3A_645 = arith.constant 0 : i32
        %ne3A_646 = arith.cmpi ne, %rem3A_644, %ne3A_645 : i32
        %lt3A_647 = arith.constant 0 : i32
        %lt3A_648 = arith.cmpi slt, %rem3A_644, %lt3A_647 : i32
        %lt3A_649 = arith.constant 0 : i32
        %lt3A_650 = arith.cmpi slt, %select_n3A_643, %lt3A_649 : i32
        %ne3A_651 = arith.xori %lt3A_648, %lt3A_650 : i1
        %and3A_652 = arith.andi %ne3A_651, %ne3A_646 : i1
        %add3A_653 = arith.addi %rem3A_644, %select_n3A_643 : i32
        %select_n3A_654 = arith.select %and3A_652, %add3A_653, %rem3A_644 : i32
        %jit3A_655 = arith.constant 2 : i32
        %eq3A_656 = arith.constant 0 : i32
        %eq3A_657 = arith.cmpi eq, %jit3A_655, %eq3A_656 : i32
        %jit3A_658 = arith.constant 1 : i32
        %select_n3A_659 = arith.select %eq3A_657, %jit3A_658, %jit3A_655 : i32
        %rem3A_660 = arith.remsi %add3A_293, %select_n3A_659 : i32
        %ne3A_661 = arith.constant 0 : i32
        %ne3A_662 = arith.cmpi ne, %rem3A_660, %ne3A_661 : i32
        %lt3A_663 = arith.constant 0 : i32
        %lt3A_664 = arith.cmpi slt, %rem3A_660, %lt3A_663 : i32
        %lt3A_665 = arith.constant 0 : i32
        %lt3A_666 = arith.cmpi slt, %select_n3A_659, %lt3A_665 : i32
        %ne3A_667 = arith.xori %lt3A_664, %lt3A_666 : i1
        %and3A_668 = arith.andi %ne3A_667, %ne3A_662 : i1
        %add3A_669 = arith.addi %rem3A_660, %select_n3A_659 : i32
        %select_n3A_670 = arith.select %and3A_668, %add3A_669, %rem3A_660 : i32
        %mul3A_671 = arith.constant 16 : i32
        %mul3A_672 = arith.muli %select_n3A_670, %mul3A_671 : i32
        %dma_wait3A_673 = arith.constant 0 : i32
        %dma_wait3A_674 = arith.constant 0 : i32
        %dma_wait3A_675 = arith.constant 0 : i32
        %dma_wait3A_676 = arith.constant 0 : i32
        %dma_wait3A_677 = tpu.memref_slice %arg7[%dma_wait3A_673, %dma_wait3A_674, %dma_wait3A_675, %dma_wait3A_676] : memref<2x16x8x129xf32, #tpu.memory_space<vmem>> -> memref<1x16x8x129xf32, #tpu.memory_space<vmem>>
        %dma_wait3A_678 = tpu.memref_squeeze %dma_wait3A_677 : memref<1x16x8x129xf32, #tpu.memory_space<vmem>> -> memref<16x8x129xf32, #tpu.memory_space<vmem>>
        %dma_wait3A_679 = arith.constant 0 : i32
        %dma_wait3A_680 = arith.constant 0 : i32
        %dma_wait3A_681 = arith.constant 0 : i32
        %dma_wait3A_682 = tpu.memref_slice %dma_wait3A_678[%dma_wait3A_679, %dma_wait3A_680, %dma_wait3A_681] : memref<16x8x129xf32, #tpu.memory_space<vmem>> -> memref<16x8x128xf32, #tpu.memory_space<vmem>>
        %dma_wait3A_683 = arith.constant 0 : i32
        %dma_wait3A_684 = arith.constant 0 : i32
        %dma_wait3A_685 = tpu.memref_slice %arg4[%select_n3A_614, %mul3A_672, %select_n3A_654, %dma_wait3A_683, %dma_wait3A_684] : memref<25x32x128x8x128xf32, #tpu.memory_space<hbm>> -> memref<1x16x1x8x128xf32, #tpu.memory_space<hbm>>
        %dma_wait3A_686 = tpu.memref_squeeze %dma_wait3A_685 : memref<1x16x1x8x128xf32, #tpu.memory_space<hbm>> -> memref<16x8x128xf32, #tpu.memory_space<hbm>>
        %dma_wait3A_687 = arith.constant 0 : i32
        %dma_wait3A_688 = arith.constant 0 : i32
        %dma_wait3A_689 = tpu.memref_slice %arg4[%select_n3A_614, %mul3A_672, %select_n3A_654, %dma_wait3A_687, %dma_wait3A_688] : memref<25x32x128x8x128xf32, #tpu.memory_space<hbm>> -> memref<1x16x1x8x128xf32, #tpu.memory_space<hbm>>
        %dma_wait3A_690 = tpu.memref_squeeze %dma_wait3A_689 : memref<1x16x1x8x128xf32, #tpu.memory_space<hbm>> -> memref<16x8x128xf32, #tpu.memory_space<hbm>>
        %dma_wait3A_691 = arith.constant 0 : i32
        %dma_wait3A_692 = arith.constant 0 : i32
        %dma_wait3A_693 = arith.constant 0 : i32
        %dma_wait3A_694 = tpu.memref_slice %arg7[%dma_wait3A_673, %dma_wait3A_691, %dma_wait3A_692, %dma_wait3A_693] : memref<2x16x8x129xf32, #tpu.memory_space<vmem>> -> memref<1x16x8x129xf32, #tpu.memory_space<vmem>>
        %dma_wait3A_695 = tpu.memref_squeeze %dma_wait3A_694 : memref<1x16x8x129xf32, #tpu.memory_space<vmem>> -> memref<16x8x129xf32, #tpu.memory_space<vmem>>
        %dma_wait3A_696 = arith.constant 0 : i32
        %dma_wait3A_697 = arith.constant 0 : i32
        %dma_wait3A_698 = arith.constant 0 : i32
        %dma_wait3A_699 = tpu.memref_slice %dma_wait3A_695[%dma_wait3A_696, %dma_wait3A_697, %dma_wait3A_698] : memref<16x8x129xf32, #tpu.memory_space<vmem>> -> memref<16x8x128xf32, #tpu.memory_space<vmem>>
        tpu.wait_dma2 semaphore(%arg10 : memref<!tpu.dma_semaphore, #tpu.memory_space<semaphore_mem>>) src(%dma_wait3A_699 : memref<16x8x128xf32, #tpu.memory_space<vmem>>) dst(%dma_wait3A_690 : memref<16x8x128xf32, #tpu.memory_space<hbm>>)
      } else {
      }
      %scan3A_328 = arith.constant 0 : i32
      %scan3A_329 = arith.constant 0 : i32
      %scan3A_330 = arith.constant 0 : i32
      %scan3A_331 = arith.constant 0 : i32
      %scan3A_332 = arith.constant 128 : i32
      %scan3A_333 = arith.addi %scan3A_331, %scan3A_332 : i32
      %scan3A_334 = arith.constant 1 : i32
      scf.for %scan3A_591 = %scan3A_331 to %scan3A_333 step %scan3A_334  : i32 {
        %add3A_592 = vector.broadcast %scan3A_591 : i32 to vector<16xi32>
        %add3A_593 = arith.addi %and3A_4, %add3A_592 : vector<16xi32>
        %add3A_594 = arith.constant 0 : i32
        %add3A_595 = arith.addi %add3A_594, %scan3A_591 : i32
        %get3A = arith.constant 0 : i32
        %get3A_596 = arith.constant 0 : i32
        %get3A_597 = tpu.memref_slice %arg6[%scan3A_329, %get3A, %get3A_596] : memref<2x512x32xf32, #tpu.memory_space<vmem>> -> memref<1x512x32xf32, #tpu.memory_space<vmem>>
        %get3A_598 = tpu.memref_squeeze %get3A_597 : memref<1x512x32xf32, #tpu.memory_space<vmem>> -> memref<512x32xf32, #tpu.memory_space<vmem>>
        %get3A_599 = arith.index_cast %add3A_595 : i32 to index
        %get3A_600 = arith.constant 0 : index
        %get3A_601 = tpu.vector_load %get3A_598[%get3A_599, %get3A_600] {strides = array<i32>} : memref<512x32xf32, #tpu.memory_space<vmem>>, vector<16xf32>,
        %scatter3A = arith.constant 0 : i32
        %scatter3A_602 = arith.constant 0 : i32
        %scatter3A_603 = arith.constant 0 : i32
        %scatter3A_604 = tpu.memref_slice %arg7[%scan3A_330, %scatter3A, %scatter3A_602, %scatter3A_603] : memref<2x16x8x129xf32, #tpu.memory_space<vmem>> -> memref<1x16x8x129xf32, #tpu.memory_space<vmem>>
        %scatter3A_605 = tpu.memref_squeeze %scatter3A_604 : memref<1x16x8x129xf32, #tpu.memory_space<vmem>> -> memref<16x8x129xf32, #tpu.memory_space<vmem>>
        tpu.vector_store_idx %scatter3A_605[%add3A_21, %and3A_13, %add3A_593], %get3A_601 : memref<16x8x129xf32, #tpu.memory_space<vmem>>[vector<16xi32>, vector<16xi32>, vector<16xi32>], vector<16xf32>,
        %get3A_606 = arith.constant 0 : i32
        %get3A_607 = arith.constant 0 : i32
        %get3A_608 = tpu.memref_slice %arg6[%scan3A_329, %get3A_606, %get3A_607] : memref<2x512x32xf32, #tpu.memory_space<vmem>> -> memref<1x512x32xf32, #tpu.memory_space<vmem>>
        %get3A_609 = tpu.memref_squeeze %get3A_608 : memref<1x512x32xf32, #tpu.memory_space<vmem>> -> memref<512x32xf32, #tpu.memory_space<vmem>>
        %get3A_610 = arith.index_cast %add3A_595 : i32 to index
        %get3A_611 = arith.constant 16 : index
        %get3A_612 = tpu.vector_load %get3A_609[%get3A_610, %get3A_611] {strides = array<i32>} : memref<512x32xf32, #tpu.memory_space<vmem>>, vector<16xf32>,
        %scatter3A_613 = arith.constant 0 : i32
        %scatter3A_614 = arith.constant 0 : i32
        %scatter3A_615 = arith.constant 0 : i32
        %scatter3A_616 = tpu.memref_slice %arg7[%scan3A_330, %scatter3A_613, %scatter3A_614, %scatter3A_615] : memref<2x16x8x129xf32, #tpu.memory_space<vmem>> -> memref<1x16x8x129xf32, #tpu.memory_space<vmem>>
        %scatter3A_617 = tpu.memref_squeeze %scatter3A_616 : memref<1x16x8x129xf32, #tpu.memory_space<vmem>> -> memref<16x8x129xf32, #tpu.memory_space<vmem>>
        tpu.vector_store_idx %scatter3A_617[%add3A_27, %and3A_16, %add3A_593], %get3A_612 : memref<16x8x129xf32, #tpu.memory_space<vmem>>[vector<16xi32>, vector<16xi32>, vector<16xi32>], vector<16xf32>,
        %add3A_618 = arith.constant 128 : i32
        %add3A_619 = arith.addi %add3A_618, %scan3A_591 : i32
        %get3A_620 = arith.constant 0 : i32
        %get3A_621 = arith.constant 0 : i32
        %get3A_622 = tpu.memref_slice %arg6[%scan3A_329, %get3A_620, %get3A_621] : memref<2x512x32xf32, #tpu.memory_space<vmem>> -> memref<1x512x32xf32, #tpu.memory_space<vmem>>
        %get3A_623 = tpu.memref_squeeze %get3A_622 : memref<1x512x32xf32, #tpu.memory_space<vmem>> -> memref<512x32xf32, #tpu.memory_space<vmem>>
        %get3A_624 = arith.index_cast %add3A_619 : i32 to index
        %get3A_625 = arith.constant 0 : index
        %get3A_626 = tpu.vector_load %get3A_623[%get3A_624, %get3A_625] {strides = array<i32>} : memref<512x32xf32, #tpu.memory_space<vmem>>, vector<16xf32>,
        %scatter3A_627 = arith.constant 0 : i32
        %scatter3A_628 = arith.constant 0 : i32
        %scatter3A_629 = arith.constant 0 : i32
        %scatter3A_630 = tpu.memref_slice %arg7[%scan3A_330, %scatter3A_627, %scatter3A_628, %scatter3A_629] : memref<2x16x8x129xf32, #tpu.memory_space<vmem>> -> memref<1x16x8x129xf32, #tpu.memory_space<vmem>>
        %scatter3A_631 = tpu.memref_squeeze %scatter3A_630 : memref<1x16x8x129xf32, #tpu.memory_space<vmem>> -> memref<16x8x129xf32, #tpu.memory_space<vmem>>
        tpu.vector_store_idx %scatter3A_631[%add3A_33, %and3A_13, %add3A_593], %get3A_626 : memref<16x8x129xf32, #tpu.memory_space<vmem>>[vector<16xi32>, vector<16xi32>, vector<16xi32>], vector<16xf32>,
        %get3A_632 = arith.constant 0 : i32
        %get3A_633 = arith.constant 0 : i32
        %get3A_634 = tpu.memref_slice %arg6[%scan3A_329, %get3A_632, %get3A_633] : memref<2x512x32xf32, #tpu.memory_space<vmem>> -> memref<1x512x32xf32, #tpu.memory_space<vmem>>
        %get3A_635 = tpu.memref_squeeze %get3A_634 : memref<1x512x32xf32, #tpu.memory_space<vmem>> -> memref<512x32xf32, #tpu.memory_space<vmem>>
        %get3A_636 = arith.index_cast %add3A_619 : i32 to index
        %get3A_637 = arith.constant 16 : index
        %get3A_638 = tpu.vector_load %get3A_635[%get3A_636, %get3A_637] {strides = array<i32>} : memref<512x32xf32, #tpu.memory_space<vmem>>, vector<16xf32>,
        %scatter3A_639 = arith.constant 0 : i32
        %scatter3A_640 = arith.constant 0 : i32
        %scatter3A_641 = arith.constant 0 : i32
        %scatter3A_642 = tpu.memref_slice %arg7[%scan3A_330, %scatter3A_639, %scatter3A_640, %scatter3A_641] : memref<2x16x8x129xf32, #tpu.memory_space<vmem>> -> memref<1x16x8x129xf32, #tpu.memory_space<vmem>>
        %scatter3A_643 = tpu.memref_squeeze %scatter3A_642 : memref<1x16x8x129xf32, #tpu.memory_space<vmem>> -> memref<16x8x129xf32, #tpu.memory_space<vmem>>
        tpu.vector_store_idx %scatter3A_643[%add3A_39, %and3A_16, %add3A_593], %get3A_638 : memref<16x8x129xf32, #tpu.memory_space<vmem>>[vector<16xi32>, vector<16xi32>, vector<16xi32>], vector<16xf32>,
        %add3A_644 = arith.constant 256 : i32
        %add3A_645 = arith.addi %add3A_644, %scan3A_591 : i32
        %get3A_646 = arith.constant 0 : i32
        %get3A_647 = arith.constant 0 : i32
        %get3A_648 = tpu.memref_slice %arg6[%scan3A_329, %get3A_646, %get3A_647] : memref<2x512x32xf32, #tpu.memory_space<vmem>> -> memref<1x512x32xf32, #tpu.memory_space<vmem>>
        %get3A_649 = tpu.memref_squeeze %get3A_648 : memref<1x512x32xf32, #tpu.memory_space<vmem>> -> memref<512x32xf32, #tpu.memory_space<vmem>>
        %get3A_650 = arith.index_cast %add3A_645 : i32 to index
        %get3A_651 = arith.constant 0 : index
        %get3A_652 = tpu.vector_load %get3A_649[%get3A_650, %get3A_651] {strides = array<i32>} : memref<512x32xf32, #tpu.memory_space<vmem>>, vector<16xf32>,
        %scatter3A_653 = arith.constant 0 : i32
        %scatter3A_654 = arith.constant 0 : i32
        %scatter3A_655 = arith.constant 0 : i32
        %scatter3A_656 = tpu.memref_slice %arg7[%scan3A_330, %scatter3A_653, %scatter3A_654, %scatter3A_655] : memref<2x16x8x129xf32, #tpu.memory_space<vmem>> -> memref<1x16x8x129xf32, #tpu.memory_space<vmem>>
        %scatter3A_657 = tpu.memref_squeeze %scatter3A_656 : memref<1x16x8x129xf32, #tpu.memory_space<vmem>> -> memref<16x8x129xf32, #tpu.memory_space<vmem>>
        tpu.vector_store_idx %scatter3A_657[%add3A_45, %and3A_13, %add3A_593], %get3A_652 : memref<16x8x129xf32, #tpu.memory_space<vmem>>[vector<16xi32>, vector<16xi32>, vector<16xi32>], vector<16xf32>,
        %get3A_658 = arith.constant 0 : i32
        %get3A_659 = arith.constant 0 : i32
        %get3A_660 = tpu.memref_slice %arg6[%scan3A_329, %get3A_658, %get3A_659] : memref<2x512x32xf32, #tpu.memory_space<vmem>> -> memref<1x512x32xf32, #tpu.memory_space<vmem>>
        %get3A_661 = tpu.memref_squeeze %get3A_660 : memref<1x512x32xf32, #tpu.memory_space<vmem>> -> memref<512x32xf32, #tpu.memory_space<vmem>>
        %get3A_662 = arith.index_cast %add3A_645 : i32 to index
        %get3A_663 = arith.constant 16 : index
        %get3A_664 = tpu.vector_load %get3A_661[%get3A_662, %get3A_663] {strides = array<i32>} : memref<512x32xf32, #tpu.memory_space<vmem>>, vector<16xf32>,
        %scatter3A_665 = arith.constant 0 : i32
        %scatter3A_666 = arith.constant 0 : i32
        %scatter3A_667 = arith.constant 0 : i32
        %scatter3A_668 = tpu.memref_slice %arg7[%scan3A_330, %scatter3A_665, %scatter3A_666, %scatter3A_667] : memref<2x16x8x129xf32, #tpu.memory_space<vmem>> -> memref<1x16x8x129xf32, #tpu.memory_space<vmem>>
        %scatter3A_669 = tpu.memref_squeeze %scatter3A_668 : memref<1x16x8x129xf32, #tpu.memory_space<vmem>> -> memref<16x8x129xf32, #tpu.memory_space<vmem>>
        tpu.vector_store_idx %scatter3A_669[%add3A_51, %and3A_16, %add3A_593], %get3A_664 : memref<16x8x129xf32, #tpu.memory_space<vmem>>[vector<16xi32>, vector<16xi32>, vector<16xi32>], vector<16xf32>,
        %add3A_670 = arith.constant 384 : i32
        %add3A_671 = arith.addi %add3A_670, %scan3A_591 : i32
        %get3A_672 = arith.constant 0 : i32
        %get3A_673 = arith.constant 0 : i32
        %get3A_674 = tpu.memref_slice %arg6[%scan3A_329, %get3A_672, %get3A_673] : memref<2x512x32xf32, #tpu.memory_space<vmem>> -> memref<1x512x32xf32, #tpu.memory_space<vmem>>
        %get3A_675 = tpu.memref_squeeze %get3A_674 : memref<1x512x32xf32, #tpu.memory_space<vmem>> -> memref<512x32xf32, #tpu.memory_space<vmem>>
        %get3A_676 = arith.index_cast %add3A_671 : i32 to index
        %get3A_677 = arith.constant 0 : index
        %get3A_678 = tpu.vector_load %get3A_675[%get3A_676, %get3A_677] {strides = array<i32>} : memref<512x32xf32, #tpu.memory_space<vmem>>, vector<16xf32>,
        %scatter3A_679 = arith.constant 0 : i32
        %scatter3A_680 = arith.constant 0 : i32
        %scatter3A_681 = arith.constant 0 : i32
        %scatter3A_682 = tpu.memref_slice %arg7[%scan3A_330, %scatter3A_679, %scatter3A_680, %scatter3A_681] : memref<2x16x8x129xf32, #tpu.memory_space<vmem>> -> memref<1x16x8x129xf32, #tpu.memory_space<vmem>>
        %scatter3A_683 = tpu.memref_squeeze %scatter3A_682 : memref<1x16x8x129xf32, #tpu.memory_space<vmem>> -> memref<16x8x129xf32, #tpu.memory_space<vmem>>
        tpu.vector_store_idx %scatter3A_683[%add3A_57, %and3A_13, %add3A_593], %get3A_678 : memref<16x8x129xf32, #tpu.memory_space<vmem>>[vector<16xi32>, vector<16xi32>, vector<16xi32>], vector<16xf32>,
        %get3A_684 = arith.constant 0 : i32
        %get3A_685 = arith.constant 0 : i32
        %get3A_686 = tpu.memref_slice %arg6[%scan3A_329, %get3A_684, %get3A_685] : memref<2x512x32xf32, #tpu.memory_space<vmem>> -> memref<1x512x32xf32, #tpu.memory_space<vmem>>
        %get3A_687 = tpu.memref_squeeze %get3A_686 : memref<1x512x32xf32, #tpu.memory_space<vmem>> -> memref<512x32xf32, #tpu.memory_space<vmem>>
        %get3A_688 = arith.index_cast %add3A_671 : i32 to index
        %get3A_689 = arith.constant 16 : index
        %get3A_690 = tpu.vector_load %get3A_687[%get3A_688, %get3A_689] {strides = array<i32>} : memref<512x32xf32, #tpu.memory_space<vmem>>, vector<16xf32>,
        %scatter3A_691 = arith.constant 0 : i32
        %scatter3A_692 = arith.constant 0 : i32
        %scatter3A_693 = arith.constant 0 : i32
        %scatter3A_694 = tpu.memref_slice %arg7[%scan3A_330, %scatter3A_691, %scatter3A_692, %scatter3A_693] : memref<2x16x8x129xf32, #tpu.memory_space<vmem>> -> memref<1x16x8x129xf32, #tpu.memory_space<vmem>>
        %scatter3A_695 = tpu.memref_squeeze %scatter3A_694 : memref<1x16x8x129xf32, #tpu.memory_space<vmem>> -> memref<16x8x129xf32, #tpu.memory_space<vmem>>
        tpu.vector_store_idx %scatter3A_695[%add3A_63, %and3A_16, %add3A_593], %get3A_690 : memref<16x8x129xf32, #tpu.memory_space<vmem>>[vector<16xi32>, vector<16xi32>, vector<16xi32>], vector<16xf32>,
      }
      %scan3A_335 = arith.constant 128 : i32
      %jit3A_336 = arith.constant 256 : i32
      %div3A_337 = arith.divsi %add3A_293, %jit3A_336 : i32
      %sign3A_338 = arith.constant 0 : i32
      %sign3A_339 = arith.cmpi sgt, %add3A_293, %sign3A_338 : i32
      %sign3A_340 = arith.extui %sign3A_339 : i1 to i32
      %sign3A_341 = arith.constant 0 : i32
      %sign3A_342 = arith.cmpi slt, %add3A_293, %sign3A_341 : i32
      %sign3A_343 = arith.extui %sign3A_342 : i1 to i32
      %sign3A_344 = arith.subi %sign3A_340, %sign3A_343 : i32
      %sign3A_345 = arith.constant 0 : i32
      %sign3A_346 = arith.cmpi sgt, %jit3A_336, %sign3A_345 : i32
      %sign3A_347 = arith.extui %sign3A_346 : i1 to i32
      %sign3A_348 = arith.constant 0 : i32
      %sign3A_349 = arith.cmpi slt, %jit3A_336, %sign3A_348 : i32
      %sign3A_350 = arith.extui %sign3A_349 : i1 to i32
      %sign3A_351 = arith.subi %sign3A_347, %sign3A_350 : i32
      %ne3A_352 = arith.cmpi ne, %sign3A_344, %sign3A_351 : i32
      %rem3A_353 = arith.remsi %add3A_293, %jit3A_336 : i32
      %ne3A_354 = arith.constant 0 : i32
      %ne3A_355 = arith.cmpi ne, %rem3A_353, %ne3A_354 : i32
      %and3A_356 = arith.andi %ne3A_352, %ne3A_355 : i1
      %sub3A_357 = arith.constant 1 : i32
      %sub3A_358 = arith.subi %div3A_337, %sub3A_357 : i32
      %select_n3A_359 = arith.select %and3A_356, %sub3A_358, %div3A_337 : i32
      %jit3A_360 = arith.constant 2 : i32
      %div3A_361 = arith.divsi %add3A_293, %jit3A_360 : i32
      %sign3A_362 = arith.constant 0 : i32
      %sign3A_363 = arith.cmpi sgt, %add3A_293, %sign3A_362 : i32
      %sign3A_364 = arith.extui %sign3A_363 : i1 to i32
      %sign3A_365 = arith.constant 0 : i32
      %sign3A_366 = arith.cmpi slt, %add3A_293, %sign3A_365 : i32
      %sign3A_367 = arith.extui %sign3A_366 : i1 to i32
      %sign3A_368 = arith.subi %sign3A_364, %sign3A_367 : i32
      %sign3A_369 = arith.constant 0 : i32
      %sign3A_370 = arith.cmpi sgt, %jit3A_360, %sign3A_369 : i32
      %sign3A_371 = arith.extui %sign3A_370 : i1 to i32
      %sign3A_372 = arith.constant 0 : i32
      %sign3A_373 = arith.cmpi slt, %jit3A_360, %sign3A_372 : i32
      %sign3A_374 = arith.extui %sign3A_373 : i1 to i32
      %sign3A_375 = arith.subi %sign3A_371, %sign3A_374 : i32
      %ne3A_376 = arith.cmpi ne, %sign3A_368, %sign3A_375 : i32
      %rem3A_377 = arith.remsi %add3A_293, %jit3A_360 : i32
      %ne3A_378 = arith.constant 0 : i32
      %ne3A_379 = arith.cmpi ne, %rem3A_377, %ne3A_378 : i32
      %and3A_380 = arith.andi %ne3A_376, %ne3A_379 : i1
      %sub3A_381 = arith.constant 1 : i32
      %sub3A_382 = arith.subi %div3A_361, %sub3A_381 : i32
      %select_n3A_383 = arith.select %and3A_380, %sub3A_382, %div3A_361 : i32
      %jit3A_384 = arith.constant 128 : i32
      %eq3A_385 = arith.constant 0 : i32
      %eq3A_386 = arith.cmpi eq, %jit3A_384, %eq3A_385 : i32
      %jit3A_387 = arith.constant 1 : i32
      %select_n3A_388 = arith.select %eq3A_386, %jit3A_387, %jit3A_384 : i32
      %rem3A_389 = arith.remsi %select_n3A_383, %select_n3A_388 : i32
      %ne3A_390 = arith.constant 0 : i32
      %ne3A_391 = arith.cmpi ne, %rem3A_389, %ne3A_390 : i32
      %lt3A_392 = arith.constant 0 : i32
      %lt3A_393 = arith.cmpi slt, %rem3A_389, %lt3A_392 : i32
      %lt3A_394 = arith.constant 0 : i32
      %lt3A_395 = arith.cmpi slt, %select_n3A_388, %lt3A_394 : i32
      %ne3A_396 = arith.xori %lt3A_393, %lt3A_395 : i1
      %and3A_397 = arith.andi %ne3A_396, %ne3A_391 : i1
      %add3A_398 = arith.addi %rem3A_389, %select_n3A_388 : i32
      %select_n3A_399 = arith.select %and3A_397, %add3A_398, %rem3A_389 : i32
      %jit3A_400 = arith.constant 2 : i32
      %eq3A_401 = arith.constant 0 : i32
      %eq3A_402 = arith.cmpi eq, %jit3A_400, %eq3A_401 : i32
      %jit3A_403 = arith.constant 1 : i32
      %select_n3A_404 = arith.select %eq3A_402, %jit3A_403, %jit3A_400 : i32
      %rem3A_405 = arith.remsi %add3A_293, %select_n3A_404 : i32
      %ne3A_406 = arith.constant 0 : i32
      %ne3A_407 = arith.cmpi ne, %rem3A_405, %ne3A_406 : i32
      %lt3A_408 = arith.constant 0 : i32
      %lt3A_409 = arith.cmpi slt, %rem3A_405, %lt3A_408 : i32
      %lt3A_410 = arith.constant 0 : i32
      %lt3A_411 = arith.cmpi slt, %select_n3A_404, %lt3A_410 : i32
      %ne3A_412 = arith.xori %lt3A_409, %lt3A_411 : i1
      %and3A_413 = arith.andi %ne3A_412, %ne3A_407 : i1
      %add3A_414 = arith.addi %rem3A_405, %select_n3A_404 : i32
      %select_n3A_415 = arith.select %and3A_413, %add3A_414, %rem3A_405 : i32
      %mul3A_416 = arith.constant 16 : i32
      %mul3A_417 = arith.muli %select_n3A_415, %mul3A_416 : i32
      %dma_start3A_418 = arith.constant 0 : i32
      %dma_start3A_419 = arith.constant 0 : i32
      %dma_start3A_420 = arith.constant 0 : i32
      %dma_start3A_421 = arith.constant 0 : i32
      %dma_start3A_422 = tpu.memref_slice %arg7[%dma_start3A_418, %dma_start3A_419, %dma_start3A_420, %dma_start3A_421] : memref<2x16x8x129xf32, #tpu.memory_space<vmem>> -> memref<1x16x8x129xf32, #tpu.memory_space<vmem>>
      %dma_start3A_423 = tpu.memref_squeeze %dma_start3A_422 : memref<1x16x8x129xf32, #tpu.memory_space<vmem>> -> memref<16x8x129xf32, #tpu.memory_space<vmem>>
      %dma_start3A_424 = arith.constant 0 : i32
      %dma_start3A_425 = arith.constant 0 : i32
      %dma_start3A_426 = arith.constant 0 : i32
      %dma_start3A_427 = tpu.memref_slice %dma_start3A_423[%dma_start3A_424, %dma_start3A_425, %dma_start3A_426] : memref<16x8x129xf32, #tpu.memory_space<vmem>> -> memref<16x8x128xf32, #tpu.memory_space<vmem>>
      %dma_start3A_428 = arith.constant 0 : i32
      %dma_start3A_429 = arith.constant 0 : i32
      %dma_start3A_430 = tpu.memref_slice %arg4[%select_n3A_359, %mul3A_417, %select_n3A_399, %dma_start3A_428, %dma_start3A_429] : memref<25x32x128x8x128xf32, #tpu.memory_space<hbm>> -> memref<1x16x1x8x128xf32, #tpu.memory_space<hbm>>
      %dma_start3A_431 = tpu.memref_squeeze %dma_start3A_430 : memref<1x16x1x8x128xf32, #tpu.memory_space<hbm>> -> memref<16x8x128xf32, #tpu.memory_space<hbm>>
      %dma_start3A_432 = arith.constant 0 : i32
      %dma_start3A_433 = arith.constant 0 : i32
      %dma_start3A_434 = tpu.memref_slice %arg4[%select_n3A_359, %mul3A_417, %select_n3A_399, %dma_start3A_432, %dma_start3A_433] : memref<25x32x128x8x128xf32, #tpu.memory_space<hbm>> -> memref<1x16x1x8x128xf32, #tpu.memory_space<hbm>>
      %dma_start3A_435 = tpu.memref_squeeze %dma_start3A_434 : memref<1x16x1x8x128xf32, #tpu.memory_space<hbm>> -> memref<16x8x128xf32, #tpu.memory_space<hbm>>
      %dma_start3A_436 = arith.constant 0 : i32
      %dma_start3A_437 = arith.constant 0 : i32
      %dma_start3A_438 = arith.constant 0 : i32
      %dma_start3A_439 = tpu.memref_slice %arg7[%dma_start3A_418, %dma_start3A_436, %dma_start3A_437, %dma_start3A_438] : memref<2x16x8x129xf32, #tpu.memory_space<vmem>> -> memref<1x16x8x129xf32, #tpu.memory_space<vmem>>
      %dma_start3A_440 = tpu.memref_squeeze %dma_start3A_439 : memref<1x16x8x129xf32, #tpu.memory_space<vmem>> -> memref<16x8x129xf32, #tpu.memory_space<vmem>>
      %dma_start3A_441 = arith.constant 0 : i32
      %dma_start3A_442 = arith.constant 0 : i32
      %dma_start3A_443 = arith.constant 0 : i32
      %dma_start3A_444 = tpu.memref_slice %dma_start3A_440[%dma_start3A_441, %dma_start3A_442, %dma_start3A_443] : memref<16x8x129xf32, #tpu.memory_space<vmem>> -> memref<16x8x128xf32, #tpu.memory_space<vmem>>
      tpu.enqueue_dma source(%dma_start3A_444 : memref<16x8x128xf32, #tpu.memory_space<vmem>>) target(%dma_start3A_435 : memref<16x8x128xf32, #tpu.memory_space<hbm>>) target_semaphore(%arg10 : memref<!tpu.dma_semaphore, #tpu.memory_space<semaphore_mem>>)
      %add3A_445 = arith.constant 1 : i32
      %add3A_446 = arith.addi %scan3A_290, %add3A_445 : i32
      %lt3A_447 = arith.constant 100 : i32
      %lt3A_448 = arith.cmpi slt, %add3A_446, %lt3A_447 : i32
      %convert_element_type3A_449 = arith.extui %lt3A_448 : i1 to i32
      %cond3A_450 = arith.constant 0 : i32
      %cond3A_451 = arith.cmpi ne, %convert_element_type3A_449, %cond3A_450 : i32
      scf.if %cond3A_451 {
        %add3A_591 = arith.constant 2 : i32
        %add3A_592 = arith.addi %add3A_293, %add3A_591 : i32
        %mul3A_593 = arith.constant 512 : i32
        %mul3A_594 = arith.muli %add3A_592, %mul3A_593 : i32
        %run_scoped3A_595 = arith.constant 0 : i32
        "tpu.region"() ({
          %run_scoped3A_608 = tpu.sem_alloc : memref<!tpu.dma_semaphore, #tpu.memory_space<semaphore_mem>>
          %dma_start3A_609 = arith.constant 0 : i32
          %dma_start3A_610 = tpu.memref_slice %arg5[%run_scoped3A_595, %dma_start3A_609] : memref<2x512xi32, #tpu.memory_space<vmem>> -> memref<1x512xi32, #tpu.memory_space<vmem>>
          %dma_start3A_611 = tpu.memref_squeeze %dma_start3A_610 : memref<1x512xi32, #tpu.memory_space<vmem>> -> memref<512xi32, #tpu.memory_space<vmem>>
          %dma_start3A_612 = tpu.memref_slice %arg2[%mul3A_594] : memref<3276800xi32, #tpu.memory_space<hbm>> -> memref<512xi32, #tpu.memory_space<hbm>>
          %dma_start3A_613 = arith.constant 0 : i32
          %dma_start3A_614 = tpu.memref_slice %arg5[%run_scoped3A_595, %dma_start3A_613] : memref<2x512xi32, #tpu.memory_space<vmem>> -> memref<1x512xi32, #tpu.memory_space<vmem>>
          %dma_start3A_615 = tpu.memref_squeeze %dma_start3A_614 : memref<1x512xi32, #tpu.memory_space<vmem>> -> memref<512xi32, #tpu.memory_space<vmem>>
          %dma_start3A_616 = tpu.memref_slice %arg2[%mul3A_594] : memref<3276800xi32, #tpu.memory_space<hbm>> -> memref<512xi32, #tpu.memory_space<hbm>>
          tpu.enqueue_dma source(%dma_start3A_616 : memref<512xi32, #tpu.memory_space<hbm>>) target(%dma_start3A_615 : memref<512xi32, #tpu.memory_space<vmem>>) target_semaphore(%run_scoped3A_608 : memref<!tpu.dma_semaphore, #tpu.memory_space<semaphore_mem>>)
          %dma_wait3A_617 = arith.constant 0 : i32
          %dma_wait3A_618 = tpu.memref_slice %arg5[%run_scoped3A_595, %dma_wait3A_617] : memref<2x512xi32, #tpu.memory_space<vmem>> -> memref<1x512xi32, #tpu.memory_space<vmem>>
          %dma_wait3A_619 = tpu.memref_squeeze %dma_wait3A_618 : memref<1x512xi32, #tpu.memory_space<vmem>> -> memref<512xi32, #tpu.memory_space<vmem>>
          %dma_wait3A_620 = tpu.memref_slice %arg2[%mul3A_594] : memref<3276800xi32, #tpu.memory_space<hbm>> -> memref<512xi32, #tpu.memory_space<hbm>>
          %dma_wait3A_621 = arith.constant 0 : i32
          %dma_wait3A_622 = tpu.memref_slice %arg5[%run_scoped3A_595, %dma_wait3A_621] : memref<2x512xi32, #tpu.memory_space<vmem>> -> memref<1x512xi32, #tpu.memory_space<vmem>>
          %dma_wait3A_623 = tpu.memref_squeeze %dma_wait3A_622 : memref<1x512xi32, #tpu.memory_space<vmem>> -> memref<512xi32, #tpu.memory_space<vmem>>
          %dma_wait3A_624 = tpu.memref_slice %arg2[%mul3A_594] : memref<3276800xi32, #tpu.memory_space<hbm>> -> memref<512xi32, #tpu.memory_space<hbm>>
          tpu.wait_dma2 semaphore(%run_scoped3A_608 : memref<!tpu.dma_semaphore, #tpu.memory_space<semaphore_mem>>) src(%dma_wait3A_624 : memref<512xi32, #tpu.memory_space<hbm>>) dst(%dma_wait3A_623 : memref<512xi32, #tpu.memory_space<vmem>>)
          tpu.yield
        }) : () -> ()
        %dma_start3A_596 = arith.constant 0 : i32
        %dma_start3A_597 = arith.constant 0 : i32
        %dma_start3A_598 = arith.constant 0 : i32
        %dma_start3A_599 = arith.constant 0 : i32
        %dma_start3A_600 = tpu.memref_slice %arg6[%dma_start3A_597, %dma_start3A_598, %dma_start3A_599] : memref<2x512x32xf32, #tpu.memory_space<vmem>> -> memref<1x512x32xf32, #tpu.memory_space<vmem>>
        %dma_start3A_601 = tpu.memref_squeeze %dma_start3A_600 : memref<1x512x32xf32, #tpu.memory_space<vmem>> -> memref<512x32xf32, #tpu.memory_space<vmem>>
        %dma_start3A_602 = arith.constant 0 : i32
        %dma_start3A_603 = tpu.memref_slice %arg5[%dma_start3A_596, %dma_start3A_602] : memref<2x512xi32, #tpu.memory_space<vmem>> -> memref<1x512xi32, #tpu.memory_space<vmem>>
        %dma_start3A_604 = tpu.memref_squeeze %dma_start3A_603 : memref<1x512xi32, #tpu.memory_space<vmem>> -> memref<512xi32, #tpu.memory_space<vmem>>
        %dma_start3A_605 = arith.constant 0 : i32
        %dma_start3A_606 = arith.constant 0 : i32
        %dma_start3A_607 = tpu.memref_slice %arg3[%dma_start3A_605, %dma_start3A_606] : memref<1000000x32xf32, #tpu.memory_space<hbm>> -> memref<1000000x32xf32, #tpu.memory_space<hbm>>
        tpu.enqueue_indirect_dma source(%dma_start3A_607 : memref<1000000x32xf32, #tpu.memory_space<hbm>>) target(%dma_start3A_601 : memref<512x32xf32, #tpu.memory_space<vmem>>) offsets(%dma_start3A_604 : memref<512xi32, #tpu.memory_space<vmem>>) semaphore(%arg8 : memref<!tpu.dma_semaphore, #tpu.memory_space<semaphore_mem>>)
      } else {
      }
      %dma_wait3A_452 = arith.constant 1 : i32
      %dma_wait3A_453 = arith.constant 0 : i32
      %dma_wait3A_454 = arith.constant 0 : i32
      %dma_wait3A_455 = tpu.memref_slice %arg6[%dma_wait3A_452, %dma_wait3A_453, %dma_wait3A_454] : memref<2x512x32xf32, #tpu.memory_space<vmem>> -> memref<1x512x32xf32, #tpu.memory_space<vmem>>
      %dma_wait3A_456 = tpu.memref_squeeze %dma_wait3A_455 : memref<1x512x32xf32, #tpu.memory_space<vmem>> -> memref<512x32xf32, #tpu.memory_space<vmem>>
      %dma_wait3A_457 = arith.constant 0 : i32
      %dma_wait3A_458 = arith.constant 0 : i32
      %dma_wait3A_459 = tpu.memref_slice %arg3[%dma_wait3A_457, %dma_wait3A_458] : memref<1000000x32xf32, #tpu.memory_space<hbm>> -> memref<512x32xf32, #tpu.memory_space<hbm>>
      %dma_wait3A_460 = arith.constant 0 : i32
      %dma_wait3A_461 = arith.constant 0 : i32
      %dma_wait3A_462 = tpu.memref_slice %arg6[%dma_wait3A_452, %dma_wait3A_460, %dma_wait3A_461] : memref<2x512x32xf32, #tpu.memory_space<vmem>> -> memref<1x512x32xf32, #tpu.memory_space<vmem>>
      %dma_wait3A_463 = tpu.memref_squeeze %dma_wait3A_462 : memref<1x512x32xf32, #tpu.memory_space<vmem>> -> memref<512x32xf32, #tpu.memory_space<vmem>>
      %dma_wait3A_464 = arith.constant 0 : i32
      %dma_wait3A_465 = arith.constant 0 : i32
      %dma_wait3A_466 = tpu.memref_slice %arg3[%dma_wait3A_464, %dma_wait3A_465] : memref<1000000x32xf32, #tpu.memory_space<hbm>> -> memref<512x32xf32, #tpu.memory_space<hbm>>
      tpu.wait_dma2 semaphore(%arg9 : memref<!tpu.dma_semaphore, #tpu.memory_space<semaphore_mem>>) src(%dma_wait3A_466 : memref<512x32xf32, #tpu.memory_space<hbm>>) dst(%dma_wait3A_463 : memref<512x32xf32, #tpu.memory_space<vmem>>)
      %add3A_467 = arith.constant 1 : i32
      %add3A_468 = arith.addi %add3A_293, %add3A_467 : i32
      %gt3A_469 = arith.constant 0 : i32
      %gt3A_470 = arith.cmpi sgt, %scan3A_290, %gt3A_469 : i32
      %convert_element_type3A_471 = arith.extui %gt3A_470 : i1 to i32
      %cond3A_472 = arith.constant 0 : i32
      %cond3A_473 = arith.cmpi ne, %convert_element_type3A_471, %cond3A_472 : i32
      scf.if %cond3A_473 {
        %jit3A_591 = arith.constant 256 : i32
        %div3A_592 = arith.divsi %add3A_468, %jit3A_591 : i32
        %sign3A_593 = arith.constant 0 : i32
        %sign3A_594 = arith.cmpi sgt, %add3A_468, %sign3A_593 : i32
        %sign3A_595 = arith.extui %sign3A_594 : i1 to i32
        %sign3A_596 = arith.constant 0 : i32
        %sign3A_597 = arith.cmpi slt, %add3A_468, %sign3A_596 : i32
        %sign3A_598 = arith.extui %sign3A_597 : i1 to i32
        %sign3A_599 = arith.subi %sign3A_595, %sign3A_598 : i32
        %sign3A_600 = arith.constant 0 : i32
        %sign3A_601 = arith.cmpi sgt, %jit3A_591, %sign3A_600 : i32
        %sign3A_602 = arith.extui %sign3A_601 : i1 to i32
        %sign3A_603 = arith.constant 0 : i32
        %sign3A_604 = arith.cmpi slt, %jit3A_591, %sign3A_603 : i32
        %sign3A_605 = arith.extui %sign3A_604 : i1 to i32
        %sign3A_606 = arith.subi %sign3A_602, %sign3A_605 : i32
        %ne3A_607 = arith.cmpi ne, %sign3A_599, %sign3A_606 : i32
        %rem3A_608 = arith.remsi %add3A_468, %jit3A_591 : i32
        %ne3A_609 = arith.constant 0 : i32
        %ne3A_610 = arith.cmpi ne, %rem3A_608, %ne3A_609 : i32
        %and3A_611 = arith.andi %ne3A_607, %ne3A_610 : i1
        %sub3A_612 = arith.constant 1 : i32
        %sub3A_613 = arith.subi %div3A_592, %sub3A_612 : i32
        %select_n3A_614 = arith.select %and3A_611, %sub3A_613, %div3A_592 : i32
        %jit3A_615 = arith.constant 2 : i32
        %div3A_616 = arith.divsi %add3A_468, %jit3A_615 : i32
        %sign3A_617 = arith.constant 0 : i32
        %sign3A_618 = arith.cmpi sgt, %add3A_468, %sign3A_617 : i32
        %sign3A_619 = arith.extui %sign3A_618 : i1 to i32
        %sign3A_620 = arith.constant 0 : i32
        %sign3A_621 = arith.cmpi slt, %add3A_468, %sign3A_620 : i32
        %sign3A_622 = arith.extui %sign3A_621 : i1 to i32
        %sign3A_623 = arith.subi %sign3A_619, %sign3A_622 : i32
        %sign3A_624 = arith.constant 0 : i32
        %sign3A_625 = arith.cmpi sgt, %jit3A_615, %sign3A_624 : i32
        %sign3A_626 = arith.extui %sign3A_625 : i1 to i32
        %sign3A_627 = arith.constant 0 : i32
        %sign3A_628 = arith.cmpi slt, %jit3A_615, %sign3A_627 : i32
        %sign3A_629 = arith.extui %sign3A_628 : i1 to i32
        %sign3A_630 = arith.subi %sign3A_626, %sign3A_629 : i32
        %ne3A_631 = arith.cmpi ne, %sign3A_623, %sign3A_630 : i32
        %rem3A_632 = arith.remsi %add3A_468, %jit3A_615 : i32
        %ne3A_633 = arith.constant 0 : i32
        %ne3A_634 = arith.cmpi ne, %rem3A_632, %ne3A_633 : i32
        %and3A_635 = arith.andi %ne3A_631, %ne3A_634 : i1
        %sub3A_636 = arith.constant 1 : i32
        %sub3A_637 = arith.subi %div3A_616, %sub3A_636 : i32
        %select_n3A_638 = arith.select %and3A_635, %sub3A_637, %div3A_616 : i32
        %jit3A_639 = arith.constant 128 : i32
        %eq3A_640 = arith.constant 0 : i32
        %eq3A_641 = arith.cmpi eq, %jit3A_639, %eq3A_640 : i32
        %jit3A_642 = arith.constant 1 : i32
        %select_n3A_643 = arith.select %eq3A_641, %jit3A_642, %jit3A_639 : i32
        %rem3A_644 = arith.remsi %select_n3A_638, %select_n3A_643 : i32
        %ne3A_645 = arith.constant 0 : i32
        %ne3A_646 = arith.cmpi ne, %rem3A_644, %ne3A_645 : i32
        %lt3A_647 = arith.constant 0 : i32
        %lt3A_648 = arith.cmpi slt, %rem3A_644, %lt3A_647 : i32
        %lt3A_649 = arith.constant 0 : i32
        %lt3A_650 = arith.cmpi slt, %select_n3A_643, %lt3A_649 : i32
        %ne3A_651 = arith.xori %lt3A_648, %lt3A_650 : i1
        %and3A_652 = arith.andi %ne3A_651, %ne3A_646 : i1
        %add3A_653 = arith.addi %rem3A_644, %select_n3A_643 : i32
        %select_n3A_654 = arith.select %and3A_652, %add3A_653, %rem3A_644 : i32
        %jit3A_655 = arith.constant 2 : i32
        %eq3A_656 = arith.constant 0 : i32
        %eq3A_657 = arith.cmpi eq, %jit3A_655, %eq3A_656 : i32
        %jit3A_658 = arith.constant 1 : i32
        %select_n3A_659 = arith.select %eq3A_657, %jit3A_658, %jit3A_655 : i32
        %rem3A_660 = arith.remsi %add3A_468, %select_n3A_659 : i32
        %ne3A_661 = arith.constant 0 : i32
        %ne3A_662 = arith.cmpi ne, %rem3A_660, %ne3A_661 : i32
        %lt3A_663 = arith.constant 0 : i32
        %lt3A_664 = arith.cmpi slt, %rem3A_660, %lt3A_663 : i32
        %lt3A_665 = arith.constant 0 : i32
        %lt3A_666 = arith.cmpi slt, %select_n3A_659, %lt3A_665 : i32
        %ne3A_667 = arith.xori %lt3A_664, %lt3A_666 : i1
        %and3A_668 = arith.andi %ne3A_667, %ne3A_662 : i1
        %add3A_669 = arith.addi %rem3A_660, %select_n3A_659 : i32
        %select_n3A_670 = arith.select %and3A_668, %add3A_669, %rem3A_660 : i32
        %mul3A_671 = arith.constant 16 : i32
        %mul3A_672 = arith.muli %select_n3A_670, %mul3A_671 : i32
        %dma_wait3A_673 = arith.constant 1 : i32
        %dma_wait3A_674 = arith.constant 0 : i32
        %dma_wait3A_675 = arith.constant 0 : i32
        %dma_wait3A_676 = arith.constant 0 : i32
        %dma_wait3A_677 = tpu.memref_slice %arg7[%dma_wait3A_673, %dma_wait3A_674, %dma_wait3A_675, %dma_wait3A_676] : memref<2x16x8x129xf32, #tpu.memory_space<vmem>> -> memref<1x16x8x129xf32, #tpu.memory_space<vmem>>
        %dma_wait3A_678 = tpu.memref_squeeze %dma_wait3A_677 : memref<1x16x8x129xf32, #tpu.memory_space<vmem>> -> memref<16x8x129xf32, #tpu.memory_space<vmem>>
        %dma_wait3A_679 = arith.constant 0 : i32
        %dma_wait3A_680 = arith.constant 0 : i32
        %dma_wait3A_681 = arith.constant 0 : i32
        %dma_wait3A_682 = tpu.memref_slice %dma_wait3A_678[%dma_wait3A_679, %dma_wait3A_680, %dma_wait3A_681] : memref<16x8x129xf32, #tpu.memory_space<vmem>> -> memref<16x8x128xf32, #tpu.memory_space<vmem>>
        %dma_wait3A_683 = arith.constant 0 : i32
        %dma_wait3A_684 = arith.constant 0 : i32
        %dma_wait3A_685 = tpu.memref_slice %arg4[%select_n3A_614, %mul3A_672, %select_n3A_654, %dma_wait3A_683, %dma_wait3A_684] : memref<25x32x128x8x128xf32, #tpu.memory_space<hbm>> -> memref<1x16x1x8x128xf32, #tpu.memory_space<hbm>>
        %dma_wait3A_686 = tpu.memref_squeeze %dma_wait3A_685 : memref<1x16x1x8x128xf32, #tpu.memory_space<hbm>> -> memref<16x8x128xf32, #tpu.memory_space<hbm>>
        %dma_wait3A_687 = arith.constant 0 : i32
        %dma_wait3A_688 = arith.constant 0 : i32
        %dma_wait3A_689 = tpu.memref_slice %arg4[%select_n3A_614, %mul3A_672, %select_n3A_654, %dma_wait3A_687, %dma_wait3A_688] : memref<25x32x128x8x128xf32, #tpu.memory_space<hbm>> -> memref<1x16x1x8x128xf32, #tpu.memory_space<hbm>>
        %dma_wait3A_690 = tpu.memref_squeeze %dma_wait3A_689 : memref<1x16x1x8x128xf32, #tpu.memory_space<hbm>> -> memref<16x8x128xf32, #tpu.memory_space<hbm>>
        %dma_wait3A_691 = arith.constant 0 : i32
        %dma_wait3A_692 = arith.constant 0 : i32
        %dma_wait3A_693 = arith.constant 0 : i32
        %dma_wait3A_694 = tpu.memref_slice %arg7[%dma_wait3A_673, %dma_wait3A_691, %dma_wait3A_692, %dma_wait3A_693] : memref<2x16x8x129xf32, #tpu.memory_space<vmem>> -> memref<1x16x8x129xf32, #tpu.memory_space<vmem>>
        %dma_wait3A_695 = tpu.memref_squeeze %dma_wait3A_694 : memref<1x16x8x129xf32, #tpu.memory_space<vmem>> -> memref<16x8x129xf32, #tpu.memory_space<vmem>>
        %dma_wait3A_696 = arith.constant 0 : i32
        %dma_wait3A_697 = arith.constant 0 : i32
        %dma_wait3A_698 = arith.constant 0 : i32
        %dma_wait3A_699 = tpu.memref_slice %dma_wait3A_695[%dma_wait3A_696, %dma_wait3A_697, %dma_wait3A_698] : memref<16x8x129xf32, #tpu.memory_space<vmem>> -> memref<16x8x128xf32, #tpu.memory_space<vmem>>
        tpu.wait_dma2 semaphore(%arg11 : memref<!tpu.dma_semaphore, #tpu.memory_space<semaphore_mem>>) src(%dma_wait3A_699 : memref<16x8x128xf32, #tpu.memory_space<vmem>>) dst(%dma_wait3A_690 : memref<16x8x128xf32, #tpu.memory_space<hbm>>)
      } else {
      }
      %scan3A_474 = arith.constant 0 : i32
      %scan3A_475 = arith.constant 1 : i32
      %scan3A_476 = arith.constant 1 : i32
      %scan3A_477 = arith.constant 0 : i32
      %scan3A_478 = arith.constant 128 : i32
      %scan3A_479 = arith.addi %scan3A_477, %scan3A_478 : i32
      %scan3A_480 = arith.constant 1 : i32
      scf.for %scan3A_591 = %scan3A_477 to %scan3A_479 step %scan3A_480  : i32 {
        %add3A_592 = vector.broadcast %scan3A_591 : i32 to vector<16xi32>
        %add3A_593 = arith.addi %and3A_4, %add3A_592 : vector<16xi32>
        %add3A_594 = arith.constant 0 : i32
        %add3A_595 = arith.addi %add3A_594, %scan3A_591 : i32
        %get3A = arith.constant 0 : i32
        %get3A_596 = arith.constant 0 : i32
        %get3A_597 = tpu.memref_slice %arg6[%scan3A_475, %get3A, %get3A_596] : memref<2x512x32xf32, #tpu.memory_space<vmem>> -> memref<1x512x32xf32, #tpu.memory_space<vmem>>
        %get3A_598 = tpu.memref_squeeze %get3A_597 : memref<1x512x32xf32, #tpu.memory_space<vmem>> -> memref<512x32xf32, #tpu.memory_space<vmem>>
        %get3A_599 = arith.index_cast %add3A_595 : i32 to index
        %get3A_600 = arith.constant 0 : index
        %get3A_601 = tpu.vector_load %get3A_598[%get3A_599, %get3A_600] {strides = array<i32>} : memref<512x32xf32, #tpu.memory_space<vmem>>, vector<16xf32>,
        %scatter3A = arith.constant 0 : i32
        %scatter3A_602 = arith.constant 0 : i32
        %scatter3A_603 = arith.constant 0 : i32
        %scatter3A_604 = tpu.memref_slice %arg7[%scan3A_476, %scatter3A, %scatter3A_602, %scatter3A_603] : memref<2x16x8x129xf32, #tpu.memory_space<vmem>> -> memref<1x16x8x129xf32, #tpu.memory_space<vmem>>
        %scatter3A_605 = tpu.memref_squeeze %scatter3A_604 : memref<1x16x8x129xf32, #tpu.memory_space<vmem>> -> memref<16x8x129xf32, #tpu.memory_space<vmem>>
        tpu.vector_store_idx %scatter3A_605[%add3A_21, %and3A_13, %add3A_593], %get3A_601 : memref<16x8x129xf32, #tpu.memory_space<vmem>>[vector<16xi32>, vector<16xi32>, vector<16xi32>], vector<16xf32>,
        %get3A_606 = arith.constant 0 : i32
        %get3A_607 = arith.constant 0 : i32
        %get3A_608 = tpu.memref_slice %arg6[%scan3A_475, %get3A_606, %get3A_607] : memref<2x512x32xf32, #tpu.memory_space<vmem>> -> memref<1x512x32xf32, #tpu.memory_space<vmem>>
        %get3A_609 = tpu.memref_squeeze %get3A_608 : memref<1x512x32xf32, #tpu.memory_space<vmem>> -> memref<512x32xf32, #tpu.memory_space<vmem>>
        %get3A_610 = arith.index_cast %add3A_595 : i32 to index
        %get3A_611 = arith.constant 16 : index
        %get3A_612 = tpu.vector_load %get3A_609[%get3A_610, %get3A_611] {strides = array<i32>} : memref<512x32xf32, #tpu.memory_space<vmem>>, vector<16xf32>,
        %scatter3A_613 = arith.constant 0 : i32
        %scatter3A_614 = arith.constant 0 : i32
        %scatter3A_615 = arith.constant 0 : i32
        %scatter3A_616 = tpu.memref_slice %arg7[%scan3A_476, %scatter3A_613, %scatter3A_614, %scatter3A_615] : memref<2x16x8x129xf32, #tpu.memory_space<vmem>> -> memref<1x16x8x129xf32, #tpu.memory_space<vmem>>
        %scatter3A_617 = tpu.memref_squeeze %scatter3A_616 : memref<1x16x8x129xf32, #tpu.memory_space<vmem>> -> memref<16x8x129xf32, #tpu.memory_space<vmem>>
        tpu.vector_store_idx %scatter3A_617[%add3A_27, %and3A_16, %add3A_593], %get3A_612 : memref<16x8x129xf32, #tpu.memory_space<vmem>>[vector<16xi32>, vector<16xi32>, vector<16xi32>], vector<16xf32>,
        %add3A_618 = arith.constant 128 : i32
        %add3A_619 = arith.addi %add3A_618, %scan3A_591 : i32
        %get3A_620 = arith.constant 0 : i32
        %get3A_621 = arith.constant 0 : i32
        %get3A_622 = tpu.memref_slice %arg6[%scan3A_475, %get3A_620, %get3A_621] : memref<2x512x32xf32, #tpu.memory_space<vmem>> -> memref<1x512x32xf32, #tpu.memory_space<vmem>>
        %get3A_623 = tpu.memref_squeeze %get3A_622 : memref<1x512x32xf32, #tpu.memory_space<vmem>> -> memref<512x32xf32, #tpu.memory_space<vmem>>
        %get3A_624 = arith.index_cast %add3A_619 : i32 to index
        %get3A_625 = arith.constant 0 : index
        %get3A_626 = tpu.vector_load %get3A_623[%get3A_624, %get3A_625] {strides = array<i32>} : memref<512x32xf32, #tpu.memory_space<vmem>>, vector<16xf32>,
        %scatter3A_627 = arith.constant 0 : i32
        %scatter3A_628 = arith.constant 0 : i32
        %scatter3A_629 = arith.constant 0 : i32
        %scatter3A_630 = tpu.memref_slice %arg7[%scan3A_476, %scatter3A_627, %scatter3A_628, %scatter3A_629] : memref<2x16x8x129xf32, #tpu.memory_space<vmem>> -> memref<1x16x8x129xf32, #tpu.memory_space<vmem>>
        %scatter3A_631 = tpu.memref_squeeze %scatter3A_630 : memref<1x16x8x129xf32, #tpu.memory_space<vmem>> -> memref<16x8x129xf32, #tpu.memory_space<vmem>>
        tpu.vector_store_idx %scatter3A_631[%add3A_33, %and3A_13, %add3A_593], %get3A_626 : memref<16x8x129xf32, #tpu.memory_space<vmem>>[vector<16xi32>, vector<16xi32>, vector<16xi32>], vector<16xf32>,
        %get3A_632 = arith.constant 0 : i32
        %get3A_633 = arith.constant 0 : i32
        %get3A_634 = tpu.memref_slice %arg6[%scan3A_475, %get3A_632, %get3A_633] : memref<2x512x32xf32, #tpu.memory_space<vmem>> -> memref<1x512x32xf32, #tpu.memory_space<vmem>>
        %get3A_635 = tpu.memref_squeeze %get3A_634 : memref<1x512x32xf32, #tpu.memory_space<vmem>> -> memref<512x32xf32, #tpu.memory_space<vmem>>
        %get3A_636 = arith.index_cast %add3A_619 : i32 to index
        %get3A_637 = arith.constant 16 : index
        %get3A_638 = tpu.vector_load %get3A_635[%get3A_636, %get3A_637] {strides = array<i32>} : memref<512x32xf32, #tpu.memory_space<vmem>>, vector<16xf32>,
        %scatter3A_639 = arith.constant 0 : i32
        %scatter3A_640 = arith.constant 0 : i32
        %scatter3A_641 = arith.constant 0 : i32
        %scatter3A_642 = tpu.memref_slice %arg7[%scan3A_476, %scatter3A_639, %scatter3A_640, %scatter3A_641] : memref<2x16x8x129xf32, #tpu.memory_space<vmem>> -> memref<1x16x8x129xf32, #tpu.memory_space<vmem>>
        %scatter3A_643 = tpu.memref_squeeze %scatter3A_642 : memref<1x16x8x129xf32, #tpu.memory_space<vmem>> -> memref<16x8x129xf32, #tpu.memory_space<vmem>>
        tpu.vector_store_idx %scatter3A_643[%add3A_39, %and3A_16, %add3A_593], %get3A_638 : memref<16x8x129xf32, #tpu.memory_space<vmem>>[vector<16xi32>, vector<16xi32>, vector<16xi32>], vector<16xf32>,
        %add3A_644 = arith.constant 256 : i32
        %add3A_645 = arith.addi %add3A_644, %scan3A_591 : i32
        %get3A_646 = arith.constant 0 : i32
        %get3A_647 = arith.constant 0 : i32
        %get3A_648 = tpu.memref_slice %arg6[%scan3A_475, %get3A_646, %get3A_647] : memref<2x512x32xf32, #tpu.memory_space<vmem>> -> memref<1x512x32xf32, #tpu.memory_space<vmem>>
        %get3A_649 = tpu.memref_squeeze %get3A_648 : memref<1x512x32xf32, #tpu.memory_space<vmem>> -> memref<512x32xf32, #tpu.memory_space<vmem>>
        %get3A_650 = arith.index_cast %add3A_645 : i32 to index
        %get3A_651 = arith.constant 0 : index
        %get3A_652 = tpu.vector_load %get3A_649[%get3A_650, %get3A_651] {strides = array<i32>} : memref<512x32xf32, #tpu.memory_space<vmem>>, vector<16xf32>,
        %scatter3A_653 = arith.constant 0 : i32
        %scatter3A_654 = arith.constant 0 : i32
        %scatter3A_655 = arith.constant 0 : i32
        %scatter3A_656 = tpu.memref_slice %arg7[%scan3A_476, %scatter3A_653, %scatter3A_654, %scatter3A_655] : memref<2x16x8x129xf32, #tpu.memory_space<vmem>> -> memref<1x16x8x129xf32, #tpu.memory_space<vmem>>
        %scatter3A_657 = tpu.memref_squeeze %scatter3A_656 : memref<1x16x8x129xf32, #tpu.memory_space<vmem>> -> memref<16x8x129xf32, #tpu.memory_space<vmem>>
        tpu.vector_store_idx %scatter3A_657[%add3A_45, %and3A_13, %add3A_593], %get3A_652 : memref<16x8x129xf32, #tpu.memory_space<vmem>>[vector<16xi32>, vector<16xi32>, vector<16xi32>], vector<16xf32>,
        %get3A_658 = arith.constant 0 : i32
        %get3A_659 = arith.constant 0 : i32
        %get3A_660 = tpu.memref_slice %arg6[%scan3A_475, %get3A_658, %get3A_659] : memref<2x512x32xf32, #tpu.memory_space<vmem>> -> memref<1x512x32xf32, #tpu.memory_space<vmem>>
        %get3A_661 = tpu.memref_squeeze %get3A_660 : memref<1x512x32xf32, #tpu.memory_space<vmem>> -> memref<512x32xf32, #tpu.memory_space<vmem>>
        %get3A_662 = arith.index_cast %add3A_645 : i32 to index
        %get3A_663 = arith.constant 16 : index
        %get3A_664 = tpu.vector_load %get3A_661[%get3A_662, %get3A_663] {strides = array<i32>} : memref<512x32xf32, #tpu.memory_space<vmem>>, vector<16xf32>,
        %scatter3A_665 = arith.constant 0 : i32
        %scatter3A_666 = arith.constant 0 : i32
        %scatter3A_667 = arith.constant 0 : i32
        %scatter3A_668 = tpu.memref_slice %arg7[%scan3A_476, %scatter3A_665, %scatter3A_666, %scatter3A_667] : memref<2x16x8x129xf32, #tpu.memory_space<vmem>> -> memref<1x16x8x129xf32, #tpu.memory_space<vmem>>
        %scatter3A_669 = tpu.memref_squeeze %scatter3A_668 : memref<1x16x8x129xf32, #tpu.memory_space<vmem>> -> memref<16x8x129xf32, #tpu.memory_space<vmem>>
        tpu.vector_store_idx %scatter3A_669[%add3A_51, %and3A_16, %add3A_593], %get3A_664 : memref<16x8x129xf32, #tpu.memory_space<vmem>>[vector<16xi32>, vector<16xi32>, vector<16xi32>], vector<16xf32>,
        %add3A_670 = arith.constant 384 : i32
        %add3A_671 = arith.addi %add3A_670, %scan3A_591 : i32
        %get3A_672 = arith.constant 0 : i32
        %get3A_673 = arith.constant 0 : i32
        %get3A_674 = tpu.memref_slice %arg6[%scan3A_475, %get3A_672, %get3A_673] : memref<2x512x32xf32, #tpu.memory_space<vmem>> -> memref<1x512x32xf32, #tpu.memory_space<vmem>>
        %get3A_675 = tpu.memref_squeeze %get3A_674 : memref<1x512x32xf32, #tpu.memory_space<vmem>> -> memref<512x32xf32, #tpu.memory_space<vmem>>
        %get3A_676 = arith.index_cast %add3A_671 : i32 to index
        %get3A_677 = arith.constant 0 : index
        %get3A_678 = tpu.vector_load %get3A_675[%get3A_676, %get3A_677] {strides = array<i32>} : memref<512x32xf32, #tpu.memory_space<vmem>>, vector<16xf32>,
        %scatter3A_679 = arith.constant 0 : i32
        %scatter3A_680 = arith.constant 0 : i32
        %scatter3A_681 = arith.constant 0 : i32
        %scatter3A_682 = tpu.memref_slice %arg7[%scan3A_476, %scatter3A_679, %scatter3A_680, %scatter3A_681] : memref<2x16x8x129xf32, #tpu.memory_space<vmem>> -> memref<1x16x8x129xf32, #tpu.memory_space<vmem>>
        %scatter3A_683 = tpu.memref_squeeze %scatter3A_682 : memref<1x16x8x129xf32, #tpu.memory_space<vmem>> -> memref<16x8x129xf32, #tpu.memory_space<vmem>>
        tpu.vector_store_idx %scatter3A_683[%add3A_57, %and3A_13, %add3A_593], %get3A_678 : memref<16x8x129xf32, #tpu.memory_space<vmem>>[vector<16xi32>, vector<16xi32>, vector<16xi32>], vector<16xf32>,
        %get3A_684 = arith.constant 0 : i32
        %get3A_685 = arith.constant 0 : i32
        %get3A_686 = tpu.memref_slice %arg6[%scan3A_475, %get3A_684, %get3A_685] : memref<2x512x32xf32, #tpu.memory_space<vmem>> -> memref<1x512x32xf32, #tpu.memory_space<vmem>>
        %get3A_687 = tpu.memref_squeeze %get3A_686 : memref<1x512x32xf32, #tpu.memory_space<vmem>> -> memref<512x32xf32, #tpu.memory_space<vmem>>
        %get3A_688 = arith.index_cast %add3A_671 : i32 to index
        %get3A_689 = arith.constant 16 : index
        %get3A_690 = tpu.vector_load %get3A_687[%get3A_688, %get3A_689] {strides = array<i32>} : memref<512x32xf32, #tpu.memory_space<vmem>>, vector<16xf32>,
        %scatter3A_691 = arith.constant 0 : i32
        %scatter3A_692 = arith.constant 0 : i32
        %scatter3A_693 = arith.constant 0 : i32
        %scatter3A_694 = tpu.memref_slice %arg7[%scan3A_476, %scatter3A_691, %scatter3A_692, %scatter3A_693] : memref<2x16x8x129xf32, #tpu.memory_space<vmem>> -> memref<1x16x8x129xf32, #tpu.memory_space<vmem>>
        %scatter3A_695 = tpu.memref_squeeze %scatter3A_694 : memref<1x16x8x129xf32, #tpu.memory_space<vmem>> -> memref<16x8x129xf32, #tpu.memory_space<vmem>>
        tpu.vector_store_idx %scatter3A_695[%add3A_63, %and3A_16, %add3A_593], %get3A_690 : memref<16x8x129xf32, #tpu.memory_space<vmem>>[vector<16xi32>, vector<16xi32>, vector<16xi32>], vector<16xf32>,
      }
      %scan3A_481 = arith.constant 128 : i32
      %jit3A_482 = arith.constant 256 : i32
      %div3A_483 = arith.divsi %add3A_468, %jit3A_482 : i32
      %sign3A_484 = arith.constant 0 : i32
      %sign3A_485 = arith.cmpi sgt, %add3A_468, %sign3A_484 : i32
      %sign3A_486 = arith.extui %sign3A_485 : i1 to i32
      %sign3A_487 = arith.constant 0 : i32
      %sign3A_488 = arith.cmpi slt, %add3A_468, %sign3A_487 : i32
      %sign3A_489 = arith.extui %sign3A_488 : i1 to i32
      %sign3A_490 = arith.subi %sign3A_486, %sign3A_489 : i32
      %sign3A_491 = arith.constant 0 : i32
      %sign3A_492 = arith.cmpi sgt, %jit3A_482, %sign3A_491 : i32
      %sign3A_493 = arith.extui %sign3A_492 : i1 to i32
      %sign3A_494 = arith.constant 0 : i32
      %sign3A_495 = arith.cmpi slt, %jit3A_482, %sign3A_494 : i32
      %sign3A_496 = arith.extui %sign3A_495 : i1 to i32
      %sign3A_497 = arith.subi %sign3A_493, %sign3A_496 : i32
      %ne3A_498 = arith.cmpi ne, %sign3A_490, %sign3A_497 : i32
      %rem3A_499 = arith.remsi %add3A_468, %jit3A_482 : i32
      %ne3A_500 = arith.constant 0 : i32
      %ne3A_501 = arith.cmpi ne, %rem3A_499, %ne3A_500 : i32
      %and3A_502 = arith.andi %ne3A_498, %ne3A_501 : i1
      %sub3A_503 = arith.constant 1 : i32
      %sub3A_504 = arith.subi %div3A_483, %sub3A_503 : i32
      %select_n3A_505 = arith.select %and3A_502, %sub3A_504, %div3A_483 : i32
      %jit3A_506 = arith.constant 2 : i32
      %div3A_507 = arith.divsi %add3A_468, %jit3A_506 : i32
      %sign3A_508 = arith.constant 0 : i32
      %sign3A_509 = arith.cmpi sgt, %add3A_468, %sign3A_508 : i32
      %sign3A_510 = arith.extui %sign3A_509 : i1 to i32
      %sign3A_511 = arith.constant 0 : i32
      %sign3A_512 = arith.cmpi slt, %add3A_468, %sign3A_511 : i32
      %sign3A_513 = arith.extui %sign3A_512 : i1 to i32
      %sign3A_514 = arith.subi %sign3A_510, %sign3A_513 : i32
      %sign3A_515 = arith.constant 0 : i32
      %sign3A_516 = arith.cmpi sgt, %jit3A_506, %sign3A_515 : i32
      %sign3A_517 = arith.extui %sign3A_516 : i1 to i32
      %sign3A_518 = arith.constant 0 : i32
      %sign3A_519 = arith.cmpi slt, %jit3A_506, %sign3A_518 : i32
      %sign3A_520 = arith.extui %sign3A_519 : i1 to i32
      %sign3A_521 = arith.subi %sign3A_517, %sign3A_520 : i32
      %ne3A_522 = arith.cmpi ne, %sign3A_514, %sign3A_521 : i32
      %rem3A_523 = arith.remsi %add3A_468, %jit3A_506 : i32
      %ne3A_524 = arith.constant 0 : i32
      %ne3A_525 = arith.cmpi ne, %rem3A_523, %ne3A_524 : i32
      %and3A_526 = arith.andi %ne3A_522, %ne3A_525 : i1
      %sub3A_527 = arith.constant 1 : i32
      %sub3A_528 = arith.subi %div3A_507, %sub3A_527 : i32
      %select_n3A_529 = arith.select %and3A_526, %sub3A_528, %div3A_507 : i32
      %jit3A_530 = arith.constant 128 : i32
      %eq3A_531 = arith.constant 0 : i32
      %eq3A_532 = arith.cmpi eq, %jit3A_530, %eq3A_531 : i32
      %jit3A_533 = arith.constant 1 : i32
      %select_n3A_534 = arith.select %eq3A_532, %jit3A_533, %jit3A_530 : i32
      %rem3A_535 = arith.remsi %select_n3A_529, %select_n3A_534 : i32
      %ne3A_536 = arith.constant 0 : i32
      %ne3A_537 = arith.cmpi ne, %rem3A_535, %ne3A_536 : i32
      %lt3A_538 = arith.constant 0 : i32
      %lt3A_539 = arith.cmpi slt, %rem3A_535, %lt3A_538 : i32
      %lt3A_540 = arith.constant 0 : i32
      %lt3A_541 = arith.cmpi slt, %select_n3A_534, %lt3A_540 : i32
      %ne3A_542 = arith.xori %lt3A_539, %lt3A_541 : i1
      %and3A_543 = arith.andi %ne3A_542, %ne3A_537 : i1
      %add3A_544 = arith.addi %rem3A_535, %select_n3A_534 : i32
      %select_n3A_545 = arith.select %and3A_543, %add3A_544, %rem3A_535 : i32
      %jit3A_546 = arith.constant 2 : i32
      %eq3A_547 = arith.constant 0 : i32
      %eq3A_548 = arith.cmpi eq, %jit3A_546, %eq3A_547 : i32
      %jit3A_549 = arith.constant 1 : i32
      %select_n3A_550 = arith.select %eq3A_548, %jit3A_549, %jit3A_546 : i32
      %rem3A_551 = arith.remsi %add3A_468, %select_n3A_550 : i32
      %ne3A_552 = arith.constant 0 : i32
      %ne3A_553 = arith.cmpi ne, %rem3A_551, %ne3A_552 : i32
      %lt3A_554 = arith.constant 0 : i32
      %lt3A_555 = arith.cmpi slt, %rem3A_551, %lt3A_554 : i32
      %lt3A_556 = arith.constant 0 : i32
      %lt3A_557 = arith.cmpi slt, %select_n3A_550, %lt3A_556 : i32
      %ne3A_558 = arith.xori %lt3A_555, %lt3A_557 : i1
      %and3A_559 = arith.andi %ne3A_558, %ne3A_553 : i1
      %add3A_560 = arith.addi %rem3A_551, %select_n3A_550 : i32
      %select_n3A_561 = arith.select %and3A_559, %add3A_560, %rem3A_551 : i32
      %mul3A_562 = arith.constant 16 : i32
      %mul3A_563 = arith.muli %select_n3A_561, %mul3A_562 : i32
      %dma_start3A_564 = arith.constant 1 : i32
      %dma_start3A_565 = arith.constant 0 : i32
      %dma_start3A_566 = arith.constant 0 : i32
      %dma_start3A_567 = arith.constant 0 : i32
      %dma_start3A_568 = tpu.memref_slice %arg7[%dma_start3A_564, %dma_start3A_565, %dma_start3A_566, %dma_start3A_567] : memref<2x16x8x129xf32, #tpu.memory_space<vmem>> -> memref<1x16x8x129xf32, #tpu.memory_space<vmem>>
      %dma_start3A_569 = tpu.memref_squeeze %dma_start3A_568 : memref<1x16x8x129xf32, #tpu.memory_space<vmem>> -> memref<16x8x129xf32, #tpu.memory_space<vmem>>
      %dma_start3A_570 = arith.constant 0 : i32
      %dma_start3A_571 = arith.constant 0 : i32
      %dma_start3A_572 = arith.constant 0 : i32
      %dma_start3A_573 = tpu.memref_slice %dma_start3A_569[%dma_start3A_570, %dma_start3A_571, %dma_start3A_572] : memref<16x8x129xf32, #tpu.memory_space<vmem>> -> memref<16x8x128xf32, #tpu.memory_space<vmem>>
      %dma_start3A_574 = arith.constant 0 : i32
      %dma_start3A_575 = arith.constant 0 : i32
      %dma_start3A_576 = tpu.memref_slice %arg4[%select_n3A_505, %mul3A_563, %select_n3A_545, %dma_start3A_574, %dma_start3A_575] : memref<25x32x128x8x128xf32, #tpu.memory_space<hbm>> -> memref<1x16x1x8x128xf32, #tpu.memory_space<hbm>>
      %dma_start3A_577 = tpu.memref_squeeze %dma_start3A_576 : memref<1x16x1x8x128xf32, #tpu.memory_space<hbm>> -> memref<16x8x128xf32, #tpu.memory_space<hbm>>
      %dma_start3A_578 = arith.constant 0 : i32
      %dma_start3A_579 = arith.constant 0 : i32
      %dma_start3A_580 = tpu.memref_slice %arg4[%select_n3A_505, %mul3A_563, %select_n3A_545, %dma_start3A_578, %dma_start3A_579] : memref<25x32x128x8x128xf32, #tpu.memory_space<hbm>> -> memref<1x16x1x8x128xf32, #tpu.memory_space<hbm>>
      %dma_start3A_581 = tpu.memref_squeeze %dma_start3A_580 : memref<1x16x1x8x128xf32, #tpu.memory_space<hbm>> -> memref<16x8x128xf32, #tpu.memory_space<hbm>>
      %dma_start3A_582 = arith.constant 0 : i32
      %dma_start3A_583 = arith.constant 0 : i32
      %dma_start3A_584 = arith.constant 0 : i32
      %dma_start3A_585 = tpu.memref_slice %arg7[%dma_start3A_564, %dma_start3A_582, %dma_start3A_583, %dma_start3A_584] : memref<2x16x8x129xf32, #tpu.memory_space<vmem>> -> memref<1x16x8x129xf32, #tpu.memory_space<vmem>>
      %dma_start3A_586 = tpu.memref_squeeze %dma_start3A_585 : memref<1x16x8x129xf32, #tpu.memory_space<vmem>> -> memref<16x8x129xf32, #tpu.memory_space<vmem>>
      %dma_start3A_587 = arith.constant 0 : i32
      %dma_start3A_588 = arith.constant 0 : i32
      %dma_start3A_589 = arith.constant 0 : i32
      %dma_start3A_590 = tpu.memref_slice %dma_start3A_586[%dma_start3A_587, %dma_start3A_588, %dma_start3A_589] : memref<16x8x129xf32, #tpu.memory_space<vmem>> -> memref<16x8x128xf32, #tpu.memory_space<vmem>>
      tpu.enqueue_dma source(%dma_start3A_590 : memref<16x8x128xf32, #tpu.memory_space<vmem>>) target(%dma_start3A_581 : memref<16x8x128xf32, #tpu.memory_space<hbm>>) target_semaphore(%arg11 : memref<!tpu.dma_semaphore, #tpu.memory_space<semaphore_mem>>)
    }
    %scan3A_81 = arith.constant 100 : i32
    %jit3A = arith.constant 256 : i32
    %div3A = arith.divsi %mul3A_2, %jit3A : i32
    %sign3A = arith.constant 0 : i32
    %sign3A_82 = arith.cmpi sgt, %mul3A_2, %sign3A : i32
    %sign3A_83 = arith.extui %sign3A_82 : i1 to i32
    %sign3A_84 = arith.constant 0 : i32
    %sign3A_85 = arith.cmpi slt, %mul3A_2, %sign3A_84 : i32
    %sign3A_86 = arith.extui %sign3A_85 : i1 to i32
    %sign3A_87 = arith.subi %sign3A_83, %sign3A_86 : i32
    %sign3A_88 = arith.constant 0 : i32
    %sign3A_89 = arith.cmpi sgt, %jit3A, %sign3A_88 : i32
    %sign3A_90 = arith.extui %sign3A_89 : i1 to i32
    %sign3A_91 = arith.constant 0 : i32
    %sign3A_92 = arith.cmpi slt, %jit3A, %sign3A_91 : i32
    %sign3A_93 = arith.extui %sign3A_92 : i1 to i32
    %sign3A_94 = arith.subi %sign3A_90, %sign3A_93 : i32
    %ne3A = arith.cmpi ne, %sign3A_87, %sign3A_94 : i32
    %rem3A = arith.remsi %mul3A_2, %jit3A : i32
    %ne3A_95 = arith.constant 0 : i32
    %ne3A_96 = arith.cmpi ne, %rem3A, %ne3A_95 : i32
    %and3A_97 = arith.andi %ne3A, %ne3A_96 : i1
    %sub3A = arith.constant 1 : i32
    %sub3A_98 = arith.subi %div3A, %sub3A : i32
    %select_n3A = arith.select %and3A_97, %sub3A_98, %div3A : i32
    %jit3A_99 = arith.constant 2 : i32
    %div3A_100 = arith.divsi %mul3A_2, %jit3A_99 : i32
    %sign3A_101 = arith.constant 0 : i32
    %sign3A_102 = arith.cmpi sgt, %mul3A_2, %sign3A_101 : i32
    %sign3A_103 = arith.extui %sign3A_102 : i1 to i32
    %sign3A_104 = arith.constant 0 : i32
    %sign3A_105 = arith.cmpi slt, %mul3A_2, %sign3A_104 : i32
    %sign3A_106 = arith.extui %sign3A_105 : i1 to i32
    %sign3A_107 = arith.subi %sign3A_103, %sign3A_106 : i32
    %sign3A_108 = arith.constant 0 : i32
    %sign3A_109 = arith.cmpi sgt, %jit3A_99, %sign3A_108 : i32
    %sign3A_110 = arith.extui %sign3A_109 : i1 to i32
    %sign3A_111 = arith.constant 0 : i32
    %sign3A_112 = arith.cmpi slt, %jit3A_99, %sign3A_111 : i32
    %sign3A_113 = arith.extui %sign3A_112 : i1 to i32
    %sign3A_114 = arith.subi %sign3A_110, %sign3A_113 : i32
    %ne3A_115 = arith.cmpi ne, %sign3A_107, %sign3A_114 : i32
    %rem3A_116 = arith.remsi %mul3A_2, %jit3A_99 : i32
    %ne3A_117 = arith.constant 0 : i32
    %ne3A_118 = arith.cmpi ne, %rem3A_116, %ne3A_117 : i32
    %and3A_119 = arith.andi %ne3A_115, %ne3A_118 : i1
    %sub3A_120 = arith.constant 1 : i32
    %sub3A_121 = arith.subi %div3A_100, %sub3A_120 : i32
    %select_n3A_122 = arith.select %and3A_119, %sub3A_121, %div3A_100 : i32
    %jit3A_123 = arith.constant 128 : i32
    %eq3A = arith.constant 0 : i32
    %eq3A_124 = arith.cmpi eq, %jit3A_123, %eq3A : i32
    %jit3A_125 = arith.constant 1 : i32
    %select_n3A_126 = arith.select %eq3A_124, %jit3A_125, %jit3A_123 : i32
    %rem3A_127 = arith.remsi %select_n3A_122, %select_n3A_126 : i32
    %ne3A_128 = arith.constant 0 : i32
    %ne3A_129 = arith.cmpi ne, %rem3A_127, %ne3A_128 : i32
    %lt3A = arith.constant 0 : i32
    %lt3A_130 = arith.cmpi slt, %rem3A_127, %lt3A : i32
    %lt3A_131 = arith.constant 0 : i32
    %lt3A_132 = arith.cmpi slt, %select_n3A_126, %lt3A_131 : i32
    %ne3A_133 = arith.xori %lt3A_130, %lt3A_132 : i1
    %and3A_134 = arith.andi %ne3A_133, %ne3A_129 : i1
    %add3A_135 = arith.addi %rem3A_127, %select_n3A_126 : i32
    %select_n3A_136 = arith.select %and3A_134, %add3A_135, %rem3A_127 : i32
    %jit3A_137 = arith.constant 2 : i32
    %eq3A_138 = arith.constant 0 : i32
    %eq3A_139 = arith.cmpi eq, %jit3A_137, %eq3A_138 : i32
    %jit3A_140 = arith.constant 1 : i32
    %select_n3A_141 = arith.select %eq3A_139, %jit3A_140, %jit3A_137 : i32
    %rem3A_142 = arith.remsi %mul3A_2, %select_n3A_141 : i32
    %ne3A_143 = arith.constant 0 : i32
    %ne3A_144 = arith.cmpi ne, %rem3A_142, %ne3A_143 : i32
    %lt3A_145 = arith.constant 0 : i32
    %lt3A_146 = arith.cmpi slt, %rem3A_142, %lt3A_145 : i32
    %lt3A_147 = arith.constant 0 : i32
    %lt3A_148 = arith.cmpi slt, %select_n3A_141, %lt3A_147 : i32
    %ne3A_149 = arith.xori %lt3A_146, %lt3A_148 : i1
    %and3A_150 = arith.andi %ne3A_149, %ne3A_144 : i1
    %add3A_151 = arith.addi %rem3A_142, %select_n3A_141 : i32
    %select_n3A_152 = arith.select %and3A_150, %add3A_151, %rem3A_142 : i32
    %mul3A_153 = arith.constant 16 : i32
    %mul3A_154 = arith.muli %select_n3A_152, %mul3A_153 : i32
    %dma_wait3A = arith.constant 0 : i32
    %dma_wait3A_155 = arith.constant 0 : i32
    %dma_wait3A_156 = arith.constant 0 : i32
    %dma_wait3A_157 = arith.constant 0 : i32
    %dma_wait3A_158 = tpu.memref_slice %arg7[%dma_wait3A, %dma_wait3A_155, %dma_wait3A_156, %dma_wait3A_157] : memref<2x16x8x129xf32, #tpu.memory_space<vmem>> -> memref<1x16x8x129xf32, #tpu.memory_space<vmem>>
    %dma_wait3A_159 = tpu.memref_squeeze %dma_wait3A_158 : memref<1x16x8x129xf32, #tpu.memory_space<vmem>> -> memref<16x8x129xf32, #tpu.memory_space<vmem>>
    %dma_wait3A_160 = arith.constant 0 : i32
    %dma_wait3A_161 = arith.constant 0 : i32
    %dma_wait3A_162 = arith.constant 0 : i32
    %dma_wait3A_163 = tpu.memref_slice %dma_wait3A_159[%dma_wait3A_160, %dma_wait3A_161, %dma_wait3A_162] : memref<16x8x129xf32, #tpu.memory_space<vmem>> -> memref<16x8x128xf32, #tpu.memory_space<vmem>>
    %dma_wait3A_164 = arith.constant 0 : i32
    %dma_wait3A_165 = arith.constant 0 : i32
    %dma_wait3A_166 = tpu.memref_slice %arg4[%select_n3A, %mul3A_154, %select_n3A_136, %dma_wait3A_164, %dma_wait3A_165] : memref<25x32x128x8x128xf32, #tpu.memory_space<hbm>> -> memref<1x16x1x8x128xf32, #tpu.memory_space<hbm>>
    %dma_wait3A_167 = tpu.memref_squeeze %dma_wait3A_166 : memref<1x16x1x8x128xf32, #tpu.memory_space<hbm>> -> memref<16x8x128xf32, #tpu.memory_space<hbm>>
    %dma_wait3A_168 = arith.constant 0 : i32
    %dma_wait3A_169 = arith.constant 0 : i32
    %dma_wait3A_170 = tpu.memref_slice %arg4[%select_n3A, %mul3A_154, %select_n3A_136, %dma_wait3A_168, %dma_wait3A_169] : memref<25x32x128x8x128xf32, #tpu.memory_space<hbm>> -> memref<1x16x1x8x128xf32, #tpu.memory_space<hbm>>
    %dma_wait3A_171 = tpu.memref_squeeze %dma_wait3A_170 : memref<1x16x1x8x128xf32, #tpu.memory_space<hbm>> -> memref<16x8x128xf32, #tpu.memory_space<hbm>>
    %dma_wait3A_172 = arith.constant 0 : i32
    %dma_wait3A_173 = arith.constant 0 : i32
    %dma_wait3A_174 = arith.constant 0 : i32
    %dma_wait3A_175 = tpu.memref_slice %arg7[%dma_wait3A, %dma_wait3A_172, %dma_wait3A_173, %dma_wait3A_174] : memref<2x16x8x129xf32, #tpu.memory_space<vmem>> -> memref<1x16x8x129xf32, #tpu.memory_space<vmem>>
    %dma_wait3A_176 = tpu.memref_squeeze %dma_wait3A_175 : memref<1x16x8x129xf32, #tpu.memory_space<vmem>> -> memref<16x8x129xf32, #tpu.memory_space<vmem>>
    %dma_wait3A_177 = arith.constant 0 : i32
    %dma_wait3A_178 = arith.constant 0 : i32
    %dma_wait3A_179 = arith.constant 0 : i32
    %dma_wait3A_180 = tpu.memref_slice %dma_wait3A_176[%dma_wait3A_177, %dma_wait3A_178, %dma_wait3A_179] : memref<16x8x129xf32, #tpu.memory_space<vmem>> -> memref<16x8x128xf32, #tpu.memory_space<vmem>>
    tpu.wait_dma2 semaphore(%arg10 : memref<!tpu.dma_semaphore, #tpu.memory_space<semaphore_mem>>) src(%dma_wait3A_180 : memref<16x8x128xf32, #tpu.memory_space<vmem>>) dst(%dma_wait3A_171 : memref<16x8x128xf32, #tpu.memory_space<hbm>>)
    %jit3A_181 = arith.constant 256 : i32
    %div3A_182 = arith.divsi %mul3A_2, %jit3A_181 : i32
    %sign3A_183 = arith.constant 0 : i32
    %sign3A_184 = arith.cmpi sgt, %mul3A_2, %sign3A_183 : i32
    %sign3A_185 = arith.extui %sign3A_184 : i1 to i32
    %sign3A_186 = arith.constant 0 : i32
    %sign3A_187 = arith.cmpi slt, %mul3A_2, %sign3A_186 : i32
    %sign3A_188 = arith.extui %sign3A_187 : i1 to i32
    %sign3A_189 = arith.subi %sign3A_185, %sign3A_188 : i32
    %sign3A_190 = arith.constant 0 : i32
    %sign3A_191 = arith.cmpi sgt, %jit3A_181, %sign3A_190 : i32
    %sign3A_192 = arith.extui %sign3A_191 : i1 to i32
    %sign3A_193 = arith.constant 0 : i32
    %sign3A_194 = arith.cmpi slt, %jit3A_181, %sign3A_193 : i32
    %sign3A_195 = arith.extui %sign3A_194 : i1 to i32
    %sign3A_196 = arith.subi %sign3A_192, %sign3A_195 : i32
    %ne3A_197 = arith.cmpi ne, %sign3A_189, %sign3A_196 : i32
    %rem3A_198 = arith.remsi %mul3A_2, %jit3A_181 : i32
    %ne3A_199 = arith.constant 0 : i32
    %ne3A_200 = arith.cmpi ne, %rem3A_198, %ne3A_199 : i32
    %and3A_201 = arith.andi %ne3A_197, %ne3A_200 : i1
    %sub3A_202 = arith.constant 1 : i32
    %sub3A_203 = arith.subi %div3A_182, %sub3A_202 : i32
    %select_n3A_204 = arith.select %and3A_201, %sub3A_203, %div3A_182 : i32
    %jit3A_205 = arith.constant 2 : i32
    %div3A_206 = arith.divsi %mul3A_2, %jit3A_205 : i32
    %sign3A_207 = arith.constant 0 : i32
    %sign3A_208 = arith.cmpi sgt, %mul3A_2, %sign3A_207 : i32
    %sign3A_209 = arith.extui %sign3A_208 : i1 to i32
    %sign3A_210 = arith.constant 0 : i32
    %sign3A_211 = arith.cmpi slt, %mul3A_2, %sign3A_210 : i32
    %sign3A_212 = arith.extui %sign3A_211 : i1 to i32
    %sign3A_213 = arith.subi %sign3A_209, %sign3A_212 : i32
    %sign3A_214 = arith.constant 0 : i32
    %sign3A_215 = arith.cmpi sgt, %jit3A_205, %sign3A_214 : i32
    %sign3A_216 = arith.extui %sign3A_215 : i1 to i32
    %sign3A_217 = arith.constant 0 : i32
    %sign3A_218 = arith.cmpi slt, %jit3A_205, %sign3A_217 : i32
    %sign3A_219 = arith.extui %sign3A_218 : i1 to i32
    %sign3A_220 = arith.subi %sign3A_216, %sign3A_219 : i32
    %ne3A_221 = arith.cmpi ne, %sign3A_213, %sign3A_220 : i32
    %rem3A_222 = arith.remsi %mul3A_2, %jit3A_205 : i32
    %ne3A_223 = arith.constant 0 : i32
    %ne3A_224 = arith.cmpi ne, %rem3A_222, %ne3A_223 : i32
    %and3A_225 = arith.andi %ne3A_221, %ne3A_224 : i1
    %sub3A_226 = arith.constant 1 : i32
    %sub3A_227 = arith.subi %div3A_206, %sub3A_226 : i32
    %select_n3A_228 = arith.select %and3A_225, %sub3A_227, %div3A_206 : i32
    %jit3A_229 = arith.constant 128 : i32
    %eq3A_230 = arith.constant 0 : i32
    %eq3A_231 = arith.cmpi eq, %jit3A_229, %eq3A_230 : i32
    %jit3A_232 = arith.constant 1 : i32
    %select_n3A_233 = arith.select %eq3A_231, %jit3A_232, %jit3A_229 : i32
    %rem3A_234 = arith.remsi %select_n3A_228, %select_n3A_233 : i32
    %ne3A_235 = arith.constant 0 : i32
    %ne3A_236 = arith.cmpi ne, %rem3A_234, %ne3A_235 : i32
    %lt3A_237 = arith.constant 0 : i32
    %lt3A_238 = arith.cmpi slt, %rem3A_234, %lt3A_237 : i32
    %lt3A_239 = arith.constant 0 : i32
    %lt3A_240 = arith.cmpi slt, %select_n3A_233, %lt3A_239 : i32
    %ne3A_241 = arith.xori %lt3A_238, %lt3A_240 : i1
    %and3A_242 = arith.andi %ne3A_241, %ne3A_236 : i1
    %add3A_243 = arith.addi %rem3A_234, %select_n3A_233 : i32
    %select_n3A_244 = arith.select %and3A_242, %add3A_243, %rem3A_234 : i32
    %jit3A_245 = arith.constant 2 : i32
    %eq3A_246 = arith.constant 0 : i32
    %eq3A_247 = arith.cmpi eq, %jit3A_245, %eq3A_246 : i32
    %jit3A_248 = arith.constant 1 : i32
    %select_n3A_249 = arith.select %eq3A_247, %jit3A_248, %jit3A_245 : i32
    %rem3A_250 = arith.remsi %mul3A_2, %select_n3A_249 : i32
    %ne3A_251 = arith.constant 0 : i32
    %ne3A_252 = arith.cmpi ne, %rem3A_250, %ne3A_251 : i32
    %lt3A_253 = arith.constant 0 : i32
    %lt3A_254 = arith.cmpi slt, %rem3A_250, %lt3A_253 : i32
    %lt3A_255 = arith.constant 0 : i32
    %lt3A_256 = arith.cmpi slt, %select_n3A_249, %lt3A_255 : i32
    %ne3A_257 = arith.xori %lt3A_254, %lt3A_256 : i1
    %and3A_258 = arith.andi %ne3A_257, %ne3A_252 : i1
    %add3A_259 = arith.addi %rem3A_250, %select_n3A_249 : i32
    %select_n3A_260 = arith.select %and3A_258, %add3A_259, %rem3A_250 : i32
    %mul3A_261 = arith.constant 16 : i32
    %mul3A_262 = arith.muli %select_n3A_260, %mul3A_261 : i32
    %dma_wait3A_263 = arith.constant 1 : i32
    %dma_wait3A_264 = arith.constant 0 : i32
    %dma_wait3A_265 = arith.constant 0 : i32
    %dma_wait3A_266 = arith.constant 0 : i32
    %dma_wait3A_267 = tpu.memref_slice %arg7[%dma_wait3A_263, %dma_wait3A_264, %dma_wait3A_265, %dma_wait3A_266] : memref<2x16x8x129xf32, #tpu.memory_space<vmem>> -> memref<1x16x8x129xf32, #tpu.memory_space<vmem>>
    %dma_wait3A_268 = tpu.memref_squeeze %dma_wait3A_267 : memref<1x16x8x129xf32, #tpu.memory_space<vmem>> -> memref<16x8x129xf32, #tpu.memory_space<vmem>>
    %dma_wait3A_269 = arith.constant 0 : i32
    %dma_wait3A_270 = arith.constant 0 : i32
    %dma_wait3A_271 = arith.constant 0 : i32
    %dma_wait3A_272 = tpu.memref_slice %dma_wait3A_268[%dma_wait3A_269, %dma_wait3A_270, %dma_wait3A_271] : memref<16x8x129xf32, #tpu.memory_space<vmem>> -> memref<16x8x128xf32, #tpu.memory_space<vmem>>
    %dma_wait3A_273 = arith.constant 0 : i32
    %dma_wait3A_274 = arith.constant 0 : i32
    %dma_wait3A_275 = tpu.memref_slice %arg4[%select_n3A_204, %mul3A_262, %select_n3A_244, %dma_wait3A_273, %dma_wait3A_274] : memref<25x32x128x8x128xf32, #tpu.memory_space<hbm>> -> memref<1x16x1x8x128xf32, #tpu.memory_space<hbm>>
    %dma_wait3A_276 = tpu.memref_squeeze %dma_wait3A_275 : memref<1x16x1x8x128xf32, #tpu.memory_space<hbm>> -> memref<16x8x128xf32, #tpu.memory_space<hbm>>
    %dma_wait3A_277 = arith.constant 0 : i32
    %dma_wait3A_278 = arith.constant 0 : i32
    %dma_wait3A_279 = tpu.memref_slice %arg4[%select_n3A_204, %mul3A_262, %select_n3A_244, %dma_wait3A_277, %dma_wait3A_278] : memref<25x32x128x8x128xf32, #tpu.memory_space<hbm>> -> memref<1x16x1x8x128xf32, #tpu.memory_space<hbm>>
    %dma_wait3A_280 = tpu.memref_squeeze %dma_wait3A_279 : memref<1x16x1x8x128xf32, #tpu.memory_space<hbm>> -> memref<16x8x128xf32, #tpu.memory_space<hbm>>
    %dma_wait3A_281 = arith.constant 0 : i32
    %dma_wait3A_282 = arith.constant 0 : i32
    %dma_wait3A_283 = arith.constant 0 : i32
    %dma_wait3A_284 = tpu.memref_slice %arg7[%dma_wait3A_263, %dma_wait3A_281, %dma_wait3A_282, %dma_wait3A_283] : memref<2x16x8x129xf32, #tpu.memory_space<vmem>> -> memref<1x16x8x129xf32, #tpu.memory_space<vmem>>
    %dma_wait3A_285 = tpu.memref_squeeze %dma_wait3A_284 : memref<1x16x8x129xf32, #tpu.memory_space<vmem>> -> memref<16x8x129xf32, #tpu.memory_space<vmem>>
    %dma_wait3A_286 = arith.constant 0 : i32
    %dma_wait3A_287 = arith.constant 0 : i32
    %dma_wait3A_288 = arith.constant 0 : i32
    %dma_wait3A_289 = tpu.memref_slice %dma_wait3A_285[%dma_wait3A_286, %dma_wait3A_287, %dma_wait3A_288] : memref<16x8x129xf32, #tpu.memory_space<vmem>> -> memref<16x8x128xf32, #tpu.memory_space<vmem>>
    tpu.wait_dma2 semaphore(%arg11 : memref<!tpu.dma_semaphore, #tpu.memory_space<semaphore_mem>>) src(%dma_wait3A_289 : memref<16x8x128xf32, #tpu.memory_space<vmem>>) dst(%dma_wait3A_280 : memref<16x8x128xf32, #tpu.memory_space<hbm>>)
    return
  }
}

</mosaic_0001>

<sc_bundles>
// kernel: _gather.3.cloned.1.call-start
scs
__scs_entry_jumppad:
0x0: {  	(pc) =	sbr.rel $0x88, $3  }
0x1: {  	(tag) =	ssettag $0x0;
	lr =	simm.s32 $0x1  }
0x2: {  	[smem:$0x3F9F] =	sst lr;
	_ =	strace $0xD0000000  }
0x3: {  	_ = 	snop  }
0x4: {  	_ = 	snop  }
0x5: {  	_ = 	snop  }
0x6: {  	_ = 	snop  }
0x7: {  	_ = 	snop  }
__scs_overlays_trampoline_lowered:
0x8: {  	[smem:$0x3FAE] =	sst s0  }
0x9: {  	[smem:$0x3FAF] =	sst s1  }
0xa: {  	[smem:$0x3FB0] =	sst s2  }
0xb: {  	[smem:$0x3FB1] =	sst s3  }
0xc: {  	[smem:$0x3FB2] =	sst s4  }
0xd: {  	[smem:$0x3FB3] =	sst s5  }
0xe: {  	[smem:$0x3FB4] =	sst s6  }
0xf: {  	[smem:$0x3FB5] =	sst s7  }
0x10: {  	[smem:$0x3FB6] =	sst s8  }
0x11: {  	[smem:$0x3FB7] =	sst s9;
	s0 =	simm.s32 @!p0 $0x0  }
0x12: {  	s1 =	sld [smem:$0x3F9D];
	s0 =	simm.s32 @p0 $0x1  }
0x13: {  	[smem:$0x3FB8] =	sst s0;
	s0 =	simm.s32 @!p1 $0x0  }
0x14: {  	s2 =	sld [smem:$0x3F9C];
	s0 =	simm.s32 @p1 $0x1  }
0x15: {  	[smem:$0x3FB9] =	sst s0;
	s0 =	simm.s32 @!p2 $0x0  }
0x16: {  	s3 =	sld [smem:$0x3FDB];
	s0 =	simm.s32 @p2 $0x1  }
0x17: {  	s4 =	simm.s32 $0x1BF5;
	[smem:$0x3FBB] =	sst s0  }
0x18: {  	s0 =	sld [smem:$0x3F9E];
	_ =	swait.ge [sflag:s4], $0x0  }
0x19: {  	s7 =	sld [smem:$0x3F9F]  }
0x1a: {  	s8 =	sadd.s32 $0xFFFFE003, lr  }
0x1b: {  	s9 =	sadd.s32 $0xFFFFFEF7, lr;
	s5 =	simm.s32 $0xFFFFFFFF;
	p2 =	slt.u32 s8, $0xFFFFF086  }
0x1c: {  	p1 =	slt.u32 s9, $0xF7A;
	s5 =	simm.s32 @!p2 $0x0  }
0x1d: {  	s5 =	simm.s32 @p1 $0x1;
	p0 =	seq.s32 s7, s2  }
0x1e: {  	s7 =	smul.u32 @!p0 $0xF7A, s2;
	p2 =	seq.s32 @!p0 s5, $0x0  }
0x1f: {  	s9 =	smul.u32 $0xF7A, s1;
	s8 =	simm.s32 @!p0 $0x1BF5;
	p2 =	por !p2, p0  }
0x20: {  	[sflag:s8] =	ssyncset.s32 @!p0 $0xFFFFF086;
	s6 =	sadd.s32 @!p0 s3, s7;
	s7 =	simm.s32 @!p0 $0x108  }
0x21: {  	s3 =	sadd.s32 s3, s9;
	s6 =	sadd.s32 @!p0 $0x88, s6;
	s7 =	simm.s32 @p2 $0x1082  }
0x22: {  	[simem:s7], [sflag:s8] =	dma.local @!p0 [hbm:s6], $0xF7A  }
0x23: {  	s9 =	sor.u32 $0xD0000000, s2;
	s6 =	simm.s32 $0x108;
	_ =	swait.ge @!p0 [sflag:s8], $0x0  }
0x24: {  	s3 =	sadd.s32 $0x88, s3;
	s6 =	simm.s32 @!p1 $0x1082;
	[sflag:s4] =	ssyncset.s32 $0xFFFFF086  }
0x25: {  	[simem:s6], [sflag:s4] =	dma.local [hbm:s3], $0xF7A  }
0x26: {  	[smem:$0x3F9F] =	sst s1;
	(tag) =	ssettag s2;
	_ =	strace s9  }
0x27: {  	s1 =	sld [smem:$0x3FAF]  }
0x28: {  	s2 =	sld [smem:$0x3FB0]  }
0x29: {  	s4 =	sld [smem:$0x3FB2]  }
0x2a: {  	p0 =	seq.s32 s5, $0x0;
	s5 =	sld [smem:$0x3FB3]  }
0x2b: {  	s6 =	sld [smem:$0x3FB4]  }
0x2c: {  	s7 =	sld [smem:$0x3FB5]  }
0x2d: {  	s3 =	simm.s32 $0x108;
	s8 =	sld [smem:$0x3FB6]  }
0x2e: {  	s3 =	simm.s32 @!p0 $0x1082;
	s9 =	sld [smem:$0x3FB7]  }
0x2f: {  	lr =	sadd.s32 s0, s3;
	s0 =	sld [smem:$0x3FAE]  }
0x30: {  	s3 =	sld [smem:$0x3FB1]  }
0x31: {  	[smem:$0x3FBA] =	sst s10  }
0x32: {  	s10 =	sld [smem:$0x3FB8];
	_ =	sdelay $0x3  }
0x33: {  	p0 =	seq.s32 s10, $0x1;
	s10 =	sld [smem:$0x3FBA];
	_ =	sdelay $0x3  }
0x34: {  	[smem:$0x3FBA] =	sst s10  }
0x35: {  	s10 =	sld [smem:$0x3FB9];
	_ =	sdelay $0x3  }
0x36: {  	p1 =	seq.s32 s10, $0x1;
	s10 =	sld [smem:$0x3FBA];
	_ =	sdelay $0x3  }
0x37: {  	[smem:$0x3FBA] =	sst s10  }
0x38: {  	s10 =	sld [smem:$0x3FBB]  }
0x39: {  	_ = 	snop;
	(pc) =	sbr.ind lr, $3  }
0x3a: {  	_ = 	snop  }
0x3b: {  	_ = 	snop  }
0x3c: {  	p2 =	seq.s32 s10, $0x1;
	s10 =	sld [smem:$0x3FBA]  }
0x3d: {  	_ =	shalt  }
0x3e: {  	_ =	shalt  }
0x3f: {  	_ =	shalt  }
0x40: {  	_ =	shalt  }
0x41: {  	_ =	shalt  }
0x42: {  	_ =	shalt  }
0x43: {  	_ =	shalt  }
0x44: {  	_ =	shalt  }
0x45: {  	_ =	shalt  }
0x46: {  	_ =	shalt  }
0x47: {  	_ =	shalt  }
0x48: {  	_ =	shalt  }
0x49: {  	_ =	shalt  }
0x4a: {  	_ =	shalt  }
0x4b: {  	_ =	shalt  }
0x4c: {  	_ =	shalt  }
0x4d: {  	_ =	shalt  }
0x4e: {  	_ =	shalt  }
0x4f: {  	_ =	shalt  }
0x50: {  	_ =	shalt  }
0x51: {  	_ =	shalt  }
0x52: {  	_ =	shalt  }
0x53: {  	_ =	shalt  }
0x54: {  	_ =	shalt  }
0x55: {  	_ =	shalt  }
0x56: {  	_ =	shalt  }
0x57: {  	_ =	shalt  }
0x58: {  	_ =	shalt  }
0x59: {  	_ =	shalt  }
0x5a: {  	_ =	shalt  }
0x5b: {  	_ =	shalt  }
0x5c: {  	_ =	shalt  }
0x5d: {  	_ =	shalt  }
0x5e: {  	_ =	shalt  }
0x5f: {  	_ =	shalt  }
0x60: {  	_ =	shalt  }
0x61: {  	_ =	shalt  }
0x62: {  	_ =	shalt  }
0x63: {  	_ =	shalt  }
0x64: {  	_ =	shalt  }
0x65: {  	_ =	shalt  }
0x66: {  	_ =	shalt  }
0x67: {  	_ =	shalt  }
0x68: {  	_ =	shalt  }
0x69: {  	_ =	shalt  }
0x6a: {  	_ =	shalt  }
0x6b: {  	_ =	shalt  }
0x6c: {  	_ =	shalt  }
0x6d: {  	_ =	shalt  }
0x6e: {  	_ =	shalt  }
0x6f: {  	_ =	shalt  }
0x70: {  	_ =	shalt  }
0x71: {  	_ =	shalt  }
0x72: {  	_ =	shalt  }
0x73: {  	_ =	shalt  }
0x74: {  	_ =	shalt  }
0x75: {  	_ =	shalt  }
0x76: {  	_ =	shalt  }
0x77: {  	_ =	shalt  }
0x78: {  	_ =	shalt  }
0x79: {  	_ =	shalt  }
0x7a: {  	_ =	shalt  }
0x7b: {  	_ =	shalt  }
0x7c: {  	_ =	shalt  }
0x7d: {  	_ =	shalt  }
0x7e: {  	_ =	shalt  }
0x7f: {  	_ =	shalt  }
0x80: {  	_ =	shalt  }
0x81: {  	_ =	shalt  }
0x82: {  	_ =	shalt  }
0x83: {  	_ =	shalt  }
0x84: {  	_ =	shalt  }
0x85: {  	_ =	shalt  }
0x86: {  	_ =	shalt  }
0x87: {  	_ =	shalt  }
.Lfunc_end0:
.L_simem_size_0:
called_computation_lowered:
.L_overlay_start_0:
0x88: {  	s2 =	sld [smem:$0x3FD9]  }
0x89: {  	s3 =	sld [smem:$0x3FFE];
	_ =	sdelay $0x1  }
0x8a: {  	s1 =	srdreg.scid  }
0x8b: {  	s0 =	sand.u32 $0x1, s1  }
0x8c: {  	s17 =	sshll.u32 s0, $0xA;
	s2 =	sadd.s32 s3, s2  }
0x8d: {  	s2 =	sadd.s32 s2, s17  }
0x8e: {  	[smem:$0x3FC6] =	sst s2  }
0x8f: {  	_ = 	snop  }
0x90: {  	s2 =	sld [smem:$0x3FC9]  }
0x91: {  	s18 =	sld [smem:$0x3FD0];
	(tm) =	ssettm $0x1  }
0x92: {  	s4 =	sld [smem:$0x3FFB];
	_ =	sdelay $0x3  }
0x93: {  	_ =	strace s4  }
0x94: {  	s4 =	sld [smem:$0x3FFC];
	_ =	sdelay $0x3  }
0x95: {  	_ =	strace s4  }
0x96: {  	s4 =	sld [smem:$0x3FFD];
	_ =	sdelay $0x3  }
0x97: {  	_ =	strace s4  }
0x98: {  	_ =	strace $0x8FFFFFFF  }
0x99: {  	s19 =	sld [smem:$0x3FDB];
	_ =	sdelay $0x1  }
0x9a: {  	s5 =	simm.s32 $_scs_section_size  }
0x9b: {  	s6 =	simm.s32 $_size__tile_overlayer_lowered;
	s7 =	simm.s32 $_tile_overlayer_lowered  }
0x9c: {  	s22 =	simm.s32 $0x1BFF;
	s21 =	sshll.u32 s7, $0x1;
	s4 =	sadd.s32 s5, s19  }
0x9d: {  	s8 =	simm.s32 $0x0;
	s20 =	sshll.u32 s6, $0x1;
	s6 =	sadd.s32 s21, s4  }
0x9e: {  	[timem:s8], [sflag:s22] =	dma.local [hbm:s6], s20  }
0x9f: {  	_ =	swait.ge [sflag:s22], s20  }
0xa0: {  	s5 =	ssub.s32 $0x0, s20;
	[sflag:s22] =	ssyncset.done $0x0  }
0xa1: {  	[sflag:s22] =	ssyncadd.s32 s5;
	_ =	sdelay $0x1  }
0xa2: {  	s23 =	simm.s32 $0x1B8B  }
0xa3: {  	_ =	swait.ge [sflag:s23], $0x1  }
0xa4: {  	[sflag:s23] =	ssyncset.done $0x0  }
0xa5: {  	s25 =	simm.s32 $0x1B8E;
	s24 =	sld [smem:$0x3FFE];
	[sflag:s23] =	ssyncadd.s32 $0xFFFFFFFF  }
0xa6: {  	s26 =	simm.s32 $execute0_lowered;
	[smem:$0x3FD2] =	sst s25  }
0xa7: {  	s6 =	sshll.u32 s26, $0x1;
	_ =	strace $0x80000046;
	[dreg:$0x1] =	wrdreg $0xFFFFFFFF  }
0xa8: {  	s28 =	simm.s32 $_size_execute0_lowered;
	s4 =	sadd.s32 s4, s6;
	[dreg:$0x0] =	wrdreg $0x0  }
0xa9: {  	s6 =	sshll.u32 s28, $0x1;
	[dreg:$0x2] =	wrdreg s4  }
0xaa: {  	[dreg:$0x3] =	wrdreg s6  }
0xab: {  	[dreg:$0x4] =	wrdreg $0xC0  }
0xac: {  	_ =	task [dreg:s8], $0x5FFFF  }
0xad: {  	[dreg:$0x1] =	wrdreg $0xFFFFFFFF  }
0xae: {  	[dreg:$0x0] =	wrdreg $0x60  }
0xaf: {  	[dreg:$0x2] =	wrdreg s2  }
0xb0: {  	[dreg:$0x3] =	wrdreg s24  }
0xb1: {  	[dreg:$0x4] =	wrdreg s18  }
0xb2: {  	[dreg:$0x5] =	wrdreg $0x9  }
0xb3: {  	_ =	task.clear_ibuf [dreg:s8], $0x6FFFF;
	_ =	strace $0x90000046  }
0xb4: {  	s29 =	simm.s32 $0x9;
	_ =	strace $0x80000048  }
0xb5: {  	_ =	swait.ge [sflag:s29], $0x1  }
0xb6: {  	[sflag:s29] =	ssyncadd.s32 $0xFFFFFFFF  }
0xb7: {  	_ =	strace $0x90000048  }
0xb8: {  	_ =	sfence  }
0xb9: {  	s30 =	sld [smem:$0x0];
	_ =	sdelay $0x2  }
0xba: {  	s31 =	sshll.u32 s1, $0xD;
	s1 =	sshrl.u32 s1, $0x2  }
0xbb: {  	s3 =	sand.u32 $0x4000, s31;
	s1 =	sadd.s32 s1, s30  }
0xbc: {  	s0 =	sor.u32 s3, s0;
	s1 =	sshll.u32 s1, $0x11  }
0xbd: {  	s0 =	sor.u32 s1, s0  }
0xbe: {  	s0 =	sadd.s32 $0x8F2B, s0  }
0xbf: {  	[sflag:s0] =	ssyncadd.remote.s32 $0x1  }
0xc0: {  	_ =	sfence.sel $0xFFFF  }
0xc1: {  	[dreg:$0x0] =	wrdreg $0xFFFFFFFF;
	(pc) =	sbr.abs _section_cstart, $3  }
0xc2: {  	[dreg:$0x1] =	wrdreg $0xFFFFFFFF  }
0xc3: {  	_ =	task.clear_ibuf [dreg:s8], $0x2FFFF;
	_ =	strace $0x9FFFFFFF  }
0xc4: {  	(tm) =	ssettm $0x7FFFFFFF  }
0xc5: {  	_ =	shalt  }
tec
execute0_lowered:
.L_overlay_start_1:
0x0: {  	(tag) =	ssettag $0x1  }
0x1: {  	s8 =	rddreg [dreg:$0x0]  }
0x2: {  	s4 =	rddreg [dreg:$0x1]  }
0x3: {  	s1 =	srdreg.scid;
	s0 =	stileid.u32  }
0x4: {  	s2 =	rddreg [dreg:$0x2];
	s3 =	simm.s32 $0x0;
	s11 =	simm.s32 $0x5  }
0x5: {  	s12 =	simm.s32 $0x200;
	s13 =	simm.s32 $0x400;
	s14 =	simm.s32 $0x4400  }
0x6: {  	s15 =	simm.s32 $0x1;
	s16 =	simm.s32 $0x8400;
	s17 =	simm.s32 $0x2  }
0x7: {  	s18 =	simm.s32 $0x4;
	s19 =	simm.s32 $0xC800;
	s20 =	simm.s32 $0x3  }
0x8: {  	v0 =	vlaneseq.u32;
	s21 =	simm.s32 $0x0;
	s5 =	sand.u32 $0x1, s1;
	s6 =	sshll.u32 s0, $0x1  }
0x9: {  	s1 =	rddreg [dreg:$0x3];
	v0 =	vmul.u32 $0x88, v0;
	s6 =	sor.u32 s5, s6;
	s5 =	ssub.s32 $0x2, s5  }
0xa: {  	[smem:$0x7FF] =	sst s3;
	s7 =	smul.u32 $0x3200, s6;
	s9 =	sshrl.u32 s5, $0x1  }
0xb: {  	s4 =	sadd.s32 $0xF42800, s4;
	_ =	strace $0x80000047;
	v1 =	vadd.s32 $0x880, v0;
	s10 =	ssub.s32 s5, s9  }
0xc: {  	v2 =	vadd.s32 $0x1100, v0;
	v3 =	vadd.s32 $0x1980, v0;
	v4 =	vadd.s32 $0x2200, v0;
	s5 =	smul.u32 $0xC8, s6;
	s9 =	sadd.s32 $0x40000, s2;
	s6 =	sadd.s32 s8, s7  }
0xd: {  	v5 =	vadd.s32 $0x2A80, v0;
	v6 =	vadd.s32 $0x3300, v0;
	v7 =	vadd.s32 $0x3B80, v0;
	s7 =	sadd.s32 $0x40, s8;
	s8 =	sadd.s32 $0x80, s8;
	s10 =	smax.u32 s10, $0x1  }
.LBB2_1:
0xe: {  	[tilespmem:s3], [sflag:$0x5] =	stream.linear.gather [hbm4b:s6+s3], $0x200, $0x38;
	[tilespmem:$0x10C00] =	vst v63  }
0xf: {  	_ =	swait.ge [sflag:s11], $0x200  }
0x10: {  	[sflag:s11] =	ssyncset.done $0x0  }
0x11: {  	s22 =	simm.s32 $0x0;
	[sflag:s11] =	ssyncadd.s32 $0xFFFFFE00  }
0x12: {  	[tilespmem:s13], [sflag:$0x1] =	stream.indirect.gather [hbm4b:s4+s12], $0x20, s3, s12, $0xb8;
	[tilespmem:$0x10C00] =	vst v63  }
.LBB2_3:
0x13: {  	s23 =	sshll.u32 s22, $0x1  }
0x14: {  	s23 =	sadd.s32 s5, s23  }
0x15: {  	s24 =	sshll.u32 s23, $0x6  }
0x16: {  	s25 =	sadd.s32 s24, s7  }
0x17: {  	[tilespmem:s12], [sflag:$0x5] =	stream.linear.gather [hbm4b:s25+s3], $0x200, $0x38;
	[tilespmem:$0x10C00] =	vst v63  }
0x18: {  	_ =	swait.ge [sflag:s11], $0x200  }
0x19: {  	[sflag:s11] =	ssyncset.done $0x0  }
0x1a: {  	[sflag:s11] =	ssyncadd.s32 $0xFFFFFE00  }
0x1b: {  	[tilespmem:s14], [sflag:$0x2] =	stream.indirect.gather [hbm4b:s4+s12], $0x20, s12, s12, $0xb8;
	[tilespmem:$0x10C00] =	vst v63  }
0x1c: {  	_ =	swait.ge [sflag:s15], $0x4000  }
0x1d: {  	p0 =	seq.s32 s22, $0x0;
	[sflag:s15] =	ssyncset.done $0x0  }
0x1e: {  	s25 =	simm.s32 @!p0 $0x3;
	[sflag:s15] =	ssyncadd.s32 $0xFFFFC000  }
0x1f: {  	s26 =	simm.s32 $0x0;
	_ =	swait.ge @!p0 [sflag:s25], $0x4000  }
0x20: {  	v8 =	vmov s26;
	[sflag:s25] =	ssyncset.done @!p0 $0x0  }
0x21: {  	v9 =	vand.u32 $0x7F, v8;
	[sflag:s25] =	ssyncadd.s32 @!p0 $0xFFFFC000;
	s25 =	simm.s32 $0x2400  }
0x22: {  	v10 =	vadd.s32 v0, v9;
	v8 =	vld [tilespmem:s25+$0xFFFFE000];
	_ =	sdelay $0x4  }
0x23: {  	[tilespmem:v10+s16+$0x0] =	vst.idx.msk $0xffff, v8  }
0x24: {  	v10 =	vadd.s32 v1, v9;
	v8 =	vld [tilespmem:s25+$0xFFFFE010];
	_ =	sdelay $0x4  }
0x25: {  	[tilespmem:v10+s16+$0x0] =	vst.idx.msk $0xffff, v8  }
0x26: {  	v10 =	vadd.s32 v2, v9;
	v8 =	vld [tilespmem:s25+$0xFFFFF000];
	_ =	sdelay $0x4  }
0x27: {  	[tilespmem:v10+s16+$0x0] =	vst.idx.msk $0xffff, v8  }
0x28: {  	v10 =	vadd.s32 v3, v9;
	v8 =	vld [tilespmem:s25+$0xFFFFF010];
	_ =	sdelay $0x4  }
0x29: {  	[tilespmem:v10+s16+$0x0] =	vst.idx.msk $0xffff, v8  }
0x2a: {  	v10 =	vadd.s32 v4, v9;
	v8 =	vld [tilespmem:s25+$0x0];
	_ =	sdelay $0x4  }
0x2b: {  	[tilespmem:v10+s16+$0x0] =	vst.idx.msk $0xffff, v8  }
0x2c: {  	v10 =	vadd.s32 v5, v9;
	v8 =	vld [tilespmem:s25+$0x10];
	_ =	sdelay $0x4  }
0x2d: {  	[tilespmem:v10+s16+$0x0] =	vst.idx.msk $0xffff, v8  }
0x2e: {  	v10 =	vadd.s32 v6, v9;
	v8 =	vld [tilespmem:s25+$0x1000];
	_ =	sdelay $0x4  }
0x2f: {  	[tilespmem:v10+s16+$0x0] =	vst.idx.msk $0xffff, v8  }
0x30: {  	v9 =	vadd.s32 v7, v9;
	v8 =	vld [tilespmem:s25+$0x1010];
	_ =	sdelay $0x2  }
0x31: {  	s31 =	simm.s32 $0x1  }
0x32: {  	s26 =	simm.s32 $0x2;
	v10 =	vmov s31  }
.LBB2_4:
0x33: {  	p1 =	sne.s32 s26, $0x7F;
	v10 =	vand.u32 $0x7F, v10;
	[tilespmem:v9+s16+$0x0] =	vst.idx.msk $0xffff, v8;
	s25 =	sadd.s32 $0x20, s25  }
0x34: {  	v8 =	vld [tilespmem:s25+$0xFFFFE000];
	v9 =	vadd.s32 v0, v10;
	_ =	sdelay $0x4  }
0x35: {  	[tilespmem:v9+s16+$0x0] =	vst.idx.msk $0xffff, v8  }
0x36: {  	v9 =	vadd.s32 v1, v10;
	v8 =	vld [tilespmem:s25+$0xFFFFE010];
	_ =	sdelay $0x4  }
0x37: {  	[tilespmem:v9+s16+$0x0] =	vst.idx.msk $0xffff, v8  }
0x38: {  	v9 =	vadd.s32 v2, v10;
	v8 =	vld [tilespmem:s25+$0xFFFFF000];
	_ =	sdelay $0x4  }
0x39: {  	[tilespmem:v9+s16+$0x0] =	vst.idx.msk $0xffff, v8  }
0x3a: {  	v9 =	vadd.s32 v3, v10;
	v8 =	vld [tilespmem:s25+$0xFFFFF010];
	_ =	sdelay $0x4  }
0x3b: {  	[tilespmem:v9+s16+$0x0] =	vst.idx.msk $0xffff, v8  }
0x3c: {  	v9 =	vadd.s32 v4, v10;
	v8 =	vld [tilespmem:s25+$0x0];
	_ =	sdelay $0x4  }
0x3d: {  	[tilespmem:v9+s16+$0x0] =	vst.idx.msk $0xffff, v8  }
0x3e: {  	v9 =	vadd.s32 v5, v10;
	v8 =	vld [tilespmem:s25+$0x10];
	_ =	sdelay $0x4  }
0x3f: {  	[tilespmem:v9+s16+$0x0] =	vst.idx.msk $0xffff, v8  }
0x40: {  	v9 =	vadd.s32 v6, v10;
	v8 =	vld [tilespmem:s25+$0x1000];
	_ =	sdelay $0x4  }
0x41: {  	[tilespmem:v9+s16+$0x0] =	vst.idx.msk $0xffff, v8  }
.Ltmp0:
0x42: {  	v9 =	vadd.s32 v7, v10;
	v8 =	vld [tilespmem:s25+$0x1010];
	(pc) =	sbr.rel @p1 .LBB2_4-.Ltmp0, $2  }
0x43: {  	_ =	sdelay $0x2  }
0x44: {  	v10 =	vmov s26;
	s26 =	sadd.s32 $0x1, s26  }
0x45: {  	_ =	sdelay $0x3  }
0x46: {  	v10 =	vand.u32 $0x7F, v10;
	[tilespmem:v9+s16+$0x0] =	vst.idx.msk $0xffff, v8;
	s25 =	sadd.s32 $0x20, s25  }
0x47: {  	v8 =	vld [tilespmem:s25+$0xFFFFE000];
	v56 =	vadd.s32 v0, v10;
	_ =	sdelay $0x4  }
0x48: {  	[tilespmem:v56+s16+$0x0] =	vst.idx.msk $0xffff, v8  }
0x49: {  	v57 =	vadd.s32 v1, v10;
	v8 =	vld [tilespmem:s25+$0xFFFFE010];
	_ =	sdelay $0x4  }
0x4a: {  	[tilespmem:v57+s16+$0x0] =	vst.idx.msk $0xffff, v8  }
0x4b: {  	v58 =	vadd.s32 v2, v10;
	v8 =	vld [tilespmem:s25+$0xFFFFF000];
	_ =	sdelay $0x4  }
0x4c: {  	[tilespmem:v58+s16+$0x0] =	vst.idx.msk $0xffff, v8  }
0x4d: {  	v59 =	vadd.s32 v3, v10;
	v8 =	vld [tilespmem:s25+$0xFFFFF010];
	_ =	sdelay $0x4  }
0x4e: {  	[tilespmem:v59+s16+$0x0] =	vst.idx.msk $0xffff, v8  }
0x4f: {  	v60 =	vadd.s32 v4, v10;
	v8 =	vld [tilespmem:s25+$0x0];
	_ =	sdelay $0x4  }
0x50: {  	[tilespmem:v60+s16+$0x0] =	vst.idx.msk $0xffff, v8  }
0x51: {  	v61 =	vadd.s32 v5, v10;
	v8 =	vld [tilespmem:s25+$0x10];
	_ =	sdelay $0x4  }
0x52: {  	[tilespmem:v61+s16+$0x0] =	vst.idx.msk $0xffff, v8  }
0x53: {  	v62 =	vadd.s32 v6, v10;
	v8 =	vld [tilespmem:s25+$0x1000];
	_ =	sdelay $0x4  }
0x54: {  	[tilespmem:v62+s16+$0x0] =	vst.idx.msk $0xffff, v8  }
0x55: {  	v63 =	vadd.s32 v7, v10;
	v8 =	vld [tilespmem:s25+$0x1010];
	_ =	sdelay $0x1  }
0x56: {  	s23 =	sshll.u32 s23, $0xB  }
0x57: {  	s26 =	sand.u32 $0x3F80, s24;
	s23 =	sand.u32 $0xFF80000, s23  }
0x58: {  	s23 =	sor.u32 s26, s23  }
0x59: {  	s31 =	simm.s32 $0x8400;
	s26 =	sadd.s32 s2, s23;
	[tilespmem:v63+s16+$0x0] =	vst.idx.msk $0xffff, v8  }
0x5a: {  	[hbm4b:s26+s3] =	stream.linear.scatter [tilespmem:s31], [sflag:$0x3], $0x80, $0x38;
	[tilespmem:$0x10C00] =	vst v63  }
0x5b: {  	s28 =	sadd.s32 $0x10, s26;
	s31 =	simm.s32 $0x8488  }
0x5c: {  	[hbm4b:s28+s3] =	stream.linear.scatter [tilespmem:s31], [sflag:$0x3], $0x80, $0x38;
	[tilespmem:$0x10C00] =	vst v63  }
0x5d: {  	s31 =	simm.s32 $0x8510;
	s28 =	sadd.s32 $0x20, s26  }
0x5e: {  	[hbm4b:s28+s3] =	stream.linear.scatter [tilespmem:s31], [sflag:$0x3], $0x80, $0x38;
	[tilespmem:$0x10C00] =	vst v63  }
0x5f: {  	s31 =	simm.s32 $0x8598;
	s28 =	sadd.s32 $0x30, s26  }
0x60: {  	[hbm4b:s28+s3] =	stream.linear.scatter [tilespmem:s31], [sflag:$0x3], $0x80, $0x38;
	[tilespmem:$0x10C00] =	vst v63  }
0x61: {  	s31 =	simm.s32 $0x8620;
	s28 =	sadd.s32 $0x40, s26  }
0x62: {  	[hbm4b:s28+s3] =	stream.linear.scatter [tilespmem:s31], [sflag:$0x3], $0x80, $0x38;
	[tilespmem:$0x10C00] =	vst v63  }
0x63: {  	s29 =	simm.s32 $0x87B8;
	s31 =	simm.s32 $0x86A8;
	s28 =	sadd.s32 $0x50, s26  }
0x64: {  	[hbm4b:s28+s3] =	stream.linear.scatter [tilespmem:s31], [sflag:$0x3], $0x80, $0x38;
	[tilespmem:$0x10C00] =	vst v63  }
0x65: {  	s30 =	sadd.s32 $0x70, s26;
	s31 =	simm.s32 $0x8730;
	s28 =	sadd.s32 $0x60, s26  }
0x66: {  	[hbm4b:s28+s3] =	stream.linear.scatter [tilespmem:s31], [sflag:$0x3], $0x80, $0x38;
	[tilespmem:$0x10C00] =	vst v63  }
0x67: {  	s25 =	simm.s32 $0x440;
	s26 =	sadd.s32 $0x4000, s26;
	s28 =	simm.s32 $0x2200  }
.LBB2_6:
0x68: {  	[hbm4b:s30+s3] =	stream.linear.scatter [tilespmem:s29], [sflag:$0x3], $0x80, $0x38;
	[tilespmem:$0x10C00] =	vst v63  }
0x69: {  	s29 =	smov.u32 s25;
	s25 =	smov.u32 s28  }
0x6a: {  	s31 =	sadd.s32 $0x1100, s28;
	s25 =	sshra.s32 s25, $0x2;
	s30 =	sadd.s32 $0x8400, s29  }
0x6b: {  	[hbm4b:s26+s3] =	stream.linear.scatter [tilespmem:s30], [sflag:$0x3], $0x80, $0x38;
	[tilespmem:$0x10C00] =	vst v63  }
0x6c: {  	p1 =	sne.s32 s28, $0xFF00;
	s28 =	sadd.s32 $0x8488, s29;
	s30 =	sadd.s32 $0x10, s26  }
0x6d: {  	[hbm4b:s30+s3] =	stream.linear.scatter [tilespmem:s28], [sflag:$0x3], $0x80, $0x38;
	[tilespmem:$0x10C00] =	vst v63  }
0x6e: {  	s28 =	sadd.s32 $0x8510, s29;
	s30 =	sadd.s32 $0x20, s26  }
0x6f: {  	[hbm4b:s30+s3] =	stream.linear.scatter [tilespmem:s28], [sflag:$0x3], $0x80, $0x38;
	[tilespmem:$0x10C00] =	vst v63  }
0x70: {  	s28 =	sadd.s32 $0x8598, s29;
	s30 =	sadd.s32 $0x30, s26  }
0x71: {  	[hbm4b:s30+s3] =	stream.linear.scatter [tilespmem:s28], [sflag:$0x3], $0x80, $0x38;
	[tilespmem:$0x10C00] =	vst v63  }
0x72: {  	s28 =	sadd.s32 $0x8620, s29;
	s30 =	sadd.s32 $0x40, s26  }
0x73: {  	[hbm4b:s30+s3] =	stream.linear.scatter [tilespmem:s28], [sflag:$0x3], $0x80, $0x38;
	[tilespmem:$0x10C00] =	vst v63  }
.Ltmp1:
0x74: {  	s28 =	sadd.s32 $0x86A8, s29;
	s30 =	sadd.s32 $0x50, s26;
	(pc) =	sbr.rel @p1 .LBB2_6-.Ltmp1, $4  }
0x75: {  	[hbm4b:s30+s3] =	stream.linear.scatter [tilespmem:s28], [sflag:$0x3], $0x80, $0x38;
	[tilespmem:$0x10C00] =	vst v63  }
0x76: {  	s28 =	sadd.s32 $0x8730, s29;
	s30 =	sadd.s32 $0x60, s26;
	s29 =	sadd.s32 $0x87B8, s29  }
0x77: {  	[hbm4b:s30+s3] =	stream.linear.scatter [tilespmem:s28], [sflag:$0x3], $0x80, $0x38;
	[tilespmem:$0x10C00] =	vst v63  }
0x78: {  	s30 =	sadd.s32 $0x70, s26;
	s26 =	sadd.s32 $0x4000, s26;
	s28 =	smov.u32 s31  }
0x79: {  	[hbm4b:s30+s3] =	stream.linear.scatter [tilespmem:s29], [sflag:$0x3], $0x80, $0x38;
	[tilespmem:$0x10C00] =	vst v63  }
0x7a: {  	s28 =	sadd.s32 $0x8400, s25  }
0x7b: {  	[hbm4b:s26+s3] =	stream.linear.scatter [tilespmem:s28], [sflag:$0x3], $0x80, $0x38;
	[tilespmem:$0x10C00] =	vst v63  }
0x7c: {  	s30 =	sadd.s32 $0x8488, s25;
	s31 =	sadd.s32 $0x10, s26  }
0x7d: {  	[hbm4b:s31+s3] =	stream.linear.scatter [tilespmem:s30], [sflag:$0x3], $0x80, $0x38;
	[tilespmem:$0x10C00] =	vst v63  }
0x7e: {  	s30 =	sadd.s32 $0x8510, s25;
	s31 =	sadd.s32 $0x20, s26  }
0x7f: {  	[hbm4b:s31+s3] =	stream.linear.scatter [tilespmem:s30], [sflag:$0x3], $0x80, $0x38;
	[tilespmem:$0x10C00] =	vst v63  }
0x80: {  	s30 =	sadd.s32 $0x8598, s25;
	s31 =	sadd.s32 $0x30, s26  }
0x81: {  	[hbm4b:s31+s3] =	stream.linear.scatter [tilespmem:s30], [sflag:$0x3], $0x80, $0x38;
	[tilespmem:$0x10C00] =	vst v63  }
0x82: {  	s30 =	sadd.s32 $0x8620, s25;
	s31 =	sadd.s32 $0x40, s26  }
0x83: {  	[hbm4b:s31+s3] =	stream.linear.scatter [tilespmem:s30], [sflag:$0x3], $0x80, $0x38;
	[tilespmem:$0x10C00] =	vst v63  }
0x84: {  	p1 =	sne.s32 s22, $0x63;
	s30 =	sadd.s32 $0x86A8, s25;
	s31 =	sadd.s32 $0x50, s26  }
0x85: {  	[hbm4b:s31+s3] =	stream.linear.scatter [tilespmem:s30], [sflag:$0x3], $0x80, $0x38;
	[tilespmem:$0x10C00] =	vst v63  }
.Ltmp2:
0x86: {  	_ = 	snop;
	(pc) =	sbr.rel @p1 .LBB2_9-.Ltmp2, $4  }
0x87: {  	s30 =	sadd.s32 $0x8730, s25;
	s31 =	sadd.s32 $0x60, s26  }
0x88: {  	[hbm4b:s31+s3] =	stream.linear.scatter [tilespmem:s30], [sflag:$0x3], $0x80, $0x38;
	[tilespmem:$0x10C00] =	vst v63  }
0x89: {  	s30 =	sadd.s32 $0x87B8, s25;
	s31 =	sadd.s32 $0x70, s26  }
0x8a: {  	[hbm4b:s31+s3] =	stream.linear.scatter [tilespmem:s30], [sflag:$0x3], $0x80, $0x38;
	[tilespmem:$0x10C00] =	vst v63  }
.Ltmp3:
0x8b: {  	(pc) =	sbr.rel .LBB2_10-.Ltmp3, $4  }
0x8c: {  	_ = 	snop  }
0x8d: {  	_ =	swait.ge [sflag:s17], $0x4000  }
0x8e: {  	[sflag:s17] =	ssyncset.done $0x0  }
0x8f: {  	[sflag:s17] =	ssyncadd.s32 $0xFFFFC000  }
.LBB2_9:
0x90: {  	s24 =	sadd.s32 s24, s8  }
0x91: {  	[tilespmem:s3], [sflag:$0x5] =	stream.linear.gather [hbm4b:s24+s3], $0x200, $0x38;
	[tilespmem:$0x10C00] =	vst v63  }
0x92: {  	_ =	swait.ge [sflag:s11], $0x200  }
0x93: {  	[sflag:s11] =	ssyncset.done $0x0  }
.Ltmp4:
0x94: {  	[sflag:s11] =	ssyncadd.s32 $0xFFFFFE00;
	(pc) =	sbr.rel @p0 .LBB2_11-.Ltmp4, $4  }
0x95: {  	[tilespmem:s13], [sflag:$0x1] =	stream.indirect.gather [hbm4b:s4+s12], $0x20, s3, s12, $0xb8;
	[tilespmem:$0x10C00] =	vst v63  }
0x96: {  	_ =	swait.ge [sflag:s17], $0x4000  }
0x97: {  	[sflag:s17] =	ssyncset.done $0x0  }
0x98: {  	[sflag:s17] =	ssyncadd.s32 $0xFFFFC000  }
.LBB2_10:
0x99: {  	_ =	swait.ge [sflag:s18], $0x4000  }
0x9a: {  	[sflag:s18] =	ssyncset.done $0x0  }
0x9b: {  	[sflag:s18] =	ssyncadd.s32 $0xFFFFC000  }
.LBB2_11:
0x9c: {  	s24 =	simm.s32 $0x0  }
0x9d: {  	v8 =	vmov s24  }
0x9e: {  	s26 =	simm.s32 $0x0;
	v9 =	vand.u32 $0x7F, v8  }
0x9f: {  	v8 =	vld [tilespmem:s26+$0x4400];
	v10 =	vadd.s32 v0, v9;
	_ =	sdelay $0x4  }
0xa0: {  	[tilespmem:v10+s19+$0x0] =	vst.idx.msk $0xffff, v8  }
0xa1: {  	v10 =	vadd.s32 v1, v9;
	v8 =	vld [tilespmem:s26+$0x4410];
	_ =	sdelay $0x4  }
0xa2: {  	[tilespmem:v10+s19+$0x0] =	vst.idx.msk $0xffff, v8  }
0xa3: {  	v10 =	vadd.s32 v2, v9;
	v8 =	vld [tilespmem:s26+$0x5400];
	_ =	sdelay $0x4  }
0xa4: {  	[tilespmem:v10+s19+$0x0] =	vst.idx.msk $0xffff, v8  }
0xa5: {  	v10 =	vadd.s32 v3, v9;
	v8 =	vld [tilespmem:s26+$0x5410];
	_ =	sdelay $0x4  }
0xa6: {  	[tilespmem:v10+s19+$0x0] =	vst.idx.msk $0xffff, v8  }
0xa7: {  	v10 =	vadd.s32 v4, v9;
	v8 =	vld [tilespmem:s26+$0x6400];
	_ =	sdelay $0x4  }
0xa8: {  	[tilespmem:v10+s19+$0x0] =	vst.idx.msk $0xffff, v8  }
0xa9: {  	v10 =	vadd.s32 v5, v9;
	v8 =	vld [tilespmem:s26+$0x6410];
	_ =	sdelay $0x4  }
0xaa: {  	[tilespmem:v10+s19+$0x0] =	vst.idx.msk $0xffff, v8  }
0xab: {  	v10 =	vadd.s32 v6, v9;
	v8 =	vld [tilespmem:s26+$0x7400];
	_ =	sdelay $0x4  }
0xac: {  	[tilespmem:v10+s19+$0x0] =	vst.idx.msk $0xffff, v8  }
0xad: {  	v9 =	vadd.s32 v7, v9;
	v8 =	vld [tilespmem:s26+$0x7410];
	_ =	sdelay $0x2  }
0xae: {  	s24 =	simm.s32 $0x1  }
0xaf: {  	s22 =	sadd.s32 $0x1, s22;
	s25 =	simm.s32 $0x80;
	v10 =	vmov s24;
	s26 =	simm.s32 $0x100  }
.LBB2_12:
0xb0: {  	p0 =	sne.s32 s26, $0x3F80;
	s28 =	sshra.s32 s25, $0x2;
	v10 =	vand.u32 $0x7F, v10;
	[tilespmem:v9+s19+$0x0] =	vst.idx.msk $0xffff, v8;
	s25 =	smov.u32 s26  }
0xb1: {  	v8 =	vld [tilespmem:s28+$0x4400];
	v9 =	vadd.s32 v0, v10;
	_ =	sdelay $0x4  }
0xb2: {  	[tilespmem:v9+s19+$0x0] =	vst.idx.msk $0xffff, v8  }
0xb3: {  	v9 =	vadd.s32 v1, v10;
	v8 =	vld [tilespmem:s28+$0x4410];
	_ =	sdelay $0x4  }
0xb4: {  	[tilespmem:v9+s19+$0x0] =	vst.idx.msk $0xffff, v8  }
0xb5: {  	v9 =	vadd.s32 v2, v10;
	v8 =	vld [tilespmem:s28+$0x5400];
	_ =	sdelay $0x4  }
0xb6: {  	[tilespmem:v9+s19+$0x0] =	vst.idx.msk $0xffff, v8  }
0xb7: {  	v9 =	vadd.s32 v3, v10;
	v8 =	vld [tilespmem:s28+$0x5410];
	_ =	sdelay $0x4  }
0xb8: {  	[tilespmem:v9+s19+$0x0] =	vst.idx.msk $0xffff, v8  }
0xb9: {  	v9 =	vadd.s32 v4, v10;
	v8 =	vld [tilespmem:s28+$0x6400];
	_ =	sdelay $0x4  }
0xba: {  	[tilespmem:v9+s19+$0x0] =	vst.idx.msk $0xffff, v8  }
0xbb: {  	v9 =	vadd.s32 v5, v10;
	v8 =	vld [tilespmem:s28+$0x6410];
	_ =	sdelay $0x4  }
0xbc: {  	[tilespmem:v9+s19+$0x0] =	vst.idx.msk $0xffff, v8  }
0xbd: {  	v9 =	vadd.s32 v6, v10;
	v8 =	vld [tilespmem:s28+$0x7400];
	_ =	sdelay $0x4  }
0xbe: {  	[tilespmem:v9+s19+$0x0] =	vst.idx.msk $0xffff, v8  }
.Ltmp5:
0xbf: {  	v9 =	vadd.s32 v7, v10;
	v8 =	vld [tilespmem:s28+$0x7410];
	(pc) =	sbr.rel @p0 .LBB2_12-.Ltmp5, $3  }
0xc0: {  	_ =	sdelay $0x1  }
0xc1: {  	s24 =	sadd.s32 $0x1, s24  }
0xc2: {  	s26 =	sadd.s32 $0x80, s26;
	v10 =	vmov s24  }
0xc3: {  	_ =	sdelay $0x3  }
0xc4: {  	s24 =	sshra.s32 s25, $0x2;
	v10 =	vand.u32 $0x7F, v10;
	[tilespmem:v9+s19+$0x0] =	vst.idx.msk $0xffff, v8  }
0xc5: {  	v8 =	vld [tilespmem:s24+$0x4400];
	v56 =	vadd.s32 v0, v10;
	_ =	sdelay $0x4  }
0xc6: {  	[tilespmem:v56+s19+$0x0] =	vst.idx.msk $0xffff, v8  }
0xc7: {  	v57 =	vadd.s32 v1, v10;
	v8 =	vld [tilespmem:s24+$0x4410];
	_ =	sdelay $0x4  }
0xc8: {  	[tilespmem:v57+s19+$0x0] =	vst.idx.msk $0xffff, v8  }
0xc9: {  	v58 =	vadd.s32 v2, v10;
	v8 =	vld [tilespmem:s24+$0x5400];
	_ =	sdelay $0x4  }
0xca: {  	[tilespmem:v58+s19+$0x0] =	vst.idx.msk $0xffff, v8  }
0xcb: {  	v59 =	vadd.s32 v3, v10;
	v8 =	vld [tilespmem:s24+$0x5410];
	_ =	sdelay $0x4  }
0xcc: {  	[tilespmem:v59+s19+$0x0] =	vst.idx.msk $0xffff, v8  }
0xcd: {  	v60 =	vadd.s32 v4, v10;
	v8 =	vld [tilespmem:s24+$0x6400];
	_ =	sdelay $0x4  }
0xce: {  	[tilespmem:v60+s19+$0x0] =	vst.idx.msk $0xffff, v8  }
0xcf: {  	v61 =	vadd.s32 v5, v10;
	v8 =	vld [tilespmem:s24+$0x6410];
	_ =	sdelay $0x4  }
0xd0: {  	[tilespmem:v61+s19+$0x0] =	vst.idx.msk $0xffff, v8  }
0xd1: {  	v62 =	vadd.s32 v6, v10;
	v8 =	vld [tilespmem:s24+$0x7400];
	_ =	sdelay $0x4  }
0xd2: {  	[tilespmem:v62+s19+$0x0] =	vst.idx.msk $0xffff, v8  }
0xd3: {  	v63 =	vadd.s32 v7, v10;
	v8 =	vld [tilespmem:s24+$0x7410];
	_ =	sdelay $0x4  }
0xd4: {  	s25 =	simm.s32 $0xC800;
	s24 =	sadd.s32 s23, s9;
	[tilespmem:v63+s19+$0x0] =	vst.idx.msk $0xffff, v8  }
0xd5: {  	[hbm4b:s24+s3] =	stream.linear.scatter [tilespmem:s25], [sflag:$0x4], $0x80, $0x38;
	[tilespmem:$0x10C00] =	vst v63  }
0xd6: {  	s26 =	simm.s32 $0xC888;
	s29 =	sadd.s32 $0x10, s24  }
0xd7: {  	[hbm4b:s29+s3] =	stream.linear.scatter [tilespmem:s26], [sflag:$0x4], $0x80, $0x38;
	[tilespmem:$0x10C00] =	vst v63  }
0xd8: {  	s30 =	simm.s32 $0xC910;
	s23 =	simm.s32 $0x440;
	s31 =	sadd.s32 $0x20, s24  }
0xd9: {  	[hbm4b:s31+s3] =	stream.linear.scatter [tilespmem:s30], [sflag:$0x4], $0x80, $0x38;
	[tilespmem:$0x10C00] =	vst v63  }
0xda: {  	s28 =	sadd.s32 $0x70, s24;
	s26 =	simm.s32 $0xC998;
	s29 =	sadd.s32 $0x30, s24  }
0xdb: {  	[hbm4b:s29+s3] =	stream.linear.scatter [tilespmem:s26], [sflag:$0x4], $0x80, $0x38;
	[tilespmem:$0x10C00] =	vst v63  }
0xdc: {  	s25 =	simm.s32 $0x2200;
	s30 =	simm.s32 $0xCA20;
	s31 =	sadd.s32 $0x40, s24  }
0xdd: {  	[hbm4b:s31+s3] =	stream.linear.scatter [tilespmem:s30], [sflag:$0x4], $0x80, $0x38;
	[tilespmem:$0x10C00] =	vst v63  }
0xde: {  	s26 =	simm.s32 $0xCAA8;
	s29 =	sadd.s32 $0x50, s24;
	s30 =	simm.s32 $0xCB30  }
0xdf: {  	[hbm4b:s29+s3] =	stream.linear.scatter [tilespmem:s26], [sflag:$0x4], $0x80, $0x38;
	[tilespmem:$0x10C00] =	vst v63  }
0xe0: {  	s31 =	sadd.s32 $0x60, s24;
	s24 =	sadd.s32 $0x4000, s24;
	s26 =	simm.s32 $0xCBB8  }
0xe1: {  	[hbm4b:s31+s3] =	stream.linear.scatter [tilespmem:s30], [sflag:$0x4], $0x80, $0x38;
	[tilespmem:$0x10C00] =	vst v63  }
.LBB2_14:
0xe2: {  	[hbm4b:s28+s3] =	stream.linear.scatter [tilespmem:s26], [sflag:$0x4], $0x80, $0x38;
	[tilespmem:$0x10C00] =	vst v63  }
0xe3: {  	s26 =	smov.u32 s23;
	s23 =	smov.u32 s25  }
0xe4: {  	s29 =	sadd.s32 $0x1100, s25;
	s23 =	sshra.s32 s23, $0x2;
	s28 =	sadd.s32 $0xC800, s26  }
0xe5: {  	[hbm4b:s24+s3] =	stream.linear.scatter [tilespmem:s28], [sflag:$0x4], $0x80, $0x38;
	[tilespmem:$0x10C00] =	vst v63  }
0xe6: {  	p0 =	seq.s32 s25, $0xFF00;
	s25 =	sadd.s32 $0xC888, s26;
	s28 =	sadd.s32 $0x10, s24  }
0xe7: {  	[hbm4b:s28+s3] =	stream.linear.scatter [tilespmem:s25], [sflag:$0x4], $0x80, $0x38;
	[tilespmem:$0x10C00] =	vst v63  }
0xe8: {  	s25 =	sadd.s32 $0xC910, s26;
	s28 =	sadd.s32 $0x20, s24  }
0xe9: {  	[hbm4b:s28+s3] =	stream.linear.scatter [tilespmem:s25], [sflag:$0x4], $0x80, $0x38;
	[tilespmem:$0x10C00] =	vst v63  }
0xea: {  	s25 =	sadd.s32 $0xC998, s26;
	s28 =	sadd.s32 $0x30, s24  }
0xeb: {  	[hbm4b:s28+s3] =	stream.linear.scatter [tilespmem:s25], [sflag:$0x4], $0x80, $0x38;
	[tilespmem:$0x10C00] =	vst v63  }
0xec: {  	s25 =	sadd.s32 $0xCA20, s26;
	s28 =	sadd.s32 $0x40, s24  }
0xed: {  	[hbm4b:s28+s3] =	stream.linear.scatter [tilespmem:s25], [sflag:$0x4], $0x80, $0x38;
	[tilespmem:$0x10C00] =	vst v63  }
.Ltmp6:
0xee: {  	s25 =	sadd.s32 $0xCAA8, s26;
	s28 =	sadd.s32 $0x50, s24;
	(pc) =	sbr.rel @!p0 .LBB2_14-.Ltmp6, $4  }
0xef: {  	[hbm4b:s28+s3] =	stream.linear.scatter [tilespmem:s25], [sflag:$0x4], $0x80, $0x38;
	[tilespmem:$0x10C00] =	vst v63  }
0xf0: {  	s25 =	sadd.s32 $0xCB30, s26;
	s28 =	sadd.s32 $0x60, s24;
	s26 =	sadd.s32 $0xCBB8, s26  }
0xf1: {  	[hbm4b:s28+s3] =	stream.linear.scatter [tilespmem:s25], [sflag:$0x4], $0x80, $0x38;
	[tilespmem:$0x10C00] =	vst v63  }
0xf2: {  	s28 =	sadd.s32 $0x70, s24;
	s24 =	sadd.s32 $0x4000, s24;
	s25 =	smov.u32 s29  }
0xf3: {  	[hbm4b:s28+s3] =	stream.linear.scatter [tilespmem:s26], [sflag:$0x4], $0x80, $0x38;
	[tilespmem:$0x10C00] =	vst v63  }
0xf4: {  	s25 =	sadd.s32 $0xC800, s23  }
0xf5: {  	[hbm4b:s24+s3] =	stream.linear.scatter [tilespmem:s25], [sflag:$0x4], $0x80, $0x38;
	[tilespmem:$0x10C00] =	vst v63  }
0xf6: {  	s30 =	sadd.s32 $0xC888, s23;
	s31 =	sadd.s32 $0x10, s24  }
0xf7: {  	[hbm4b:s31+s3] =	stream.linear.scatter [tilespmem:s30], [sflag:$0x4], $0x80, $0x38;
	[tilespmem:$0x10C00] =	vst v63  }
0xf8: {  	s28 =	sadd.s32 $0xC910, s23;
	s29 =	sadd.s32 $0x20, s24  }
0xf9: {  	[hbm4b:s29+s3] =	stream.linear.scatter [tilespmem:s28], [sflag:$0x4], $0x80, $0x38;
	[tilespmem:$0x10C00] =	vst v63  }
0xfa: {  	s30 =	sadd.s32 $0xC998, s23;
	s31 =	sadd.s32 $0x30, s24  }
0xfb: {  	[hbm4b:s31+s3] =	stream.linear.scatter [tilespmem:s30], [sflag:$0x4], $0x80, $0x38;
	[tilespmem:$0x10C00] =	vst v63  }
0xfc: {  	s28 =	sadd.s32 $0xCA20, s23;
	s29 =	sadd.s32 $0x40, s24  }
0xfd: {  	[hbm4b:s29+s3] =	stream.linear.scatter [tilespmem:s28], [sflag:$0x4], $0x80, $0x38;
	[tilespmem:$0x10C00] =	vst v63  }
0xfe: {  	s30 =	sadd.s32 $0xCAA8, s23;
	s31 =	sadd.s32 $0x50, s24  }
0xff: {  	[hbm4b:s31+s3] =	stream.linear.scatter [tilespmem:s30], [sflag:$0x4], $0x80, $0x38;
	[tilespmem:$0x10C00] =	vst v63  }
0x100: {  	s28 =	sadd.s32 $0xCB30, s23;
	s29 =	sadd.s32 $0x60, s24  }
0x101: {  	[hbm4b:s29+s3] =	stream.linear.scatter [tilespmem:s28], [sflag:$0x4], $0x80, $0x38;
	[tilespmem:$0x10C00] =	vst v63  }
0x102: {  	s30 =	sadd.s32 $0xCBB8, s23;
	s31 =	sadd.s32 $0x70, s24  }
0x103: {  	[hbm4b:s31+s3] =	stream.linear.scatter [tilespmem:s30], [sflag:$0x4], $0x80, $0x38;
	[tilespmem:$0x10C00] =	vst v63  }
0x104: {  	p0 =	seq.s32 s22, $0x64  }
.Ltmp7:
0x105: {  	_ = 	snop;
	(pc) =	sbr.rel @!p0 .LBB2_3-.Ltmp7, $1  }
0x106: {  	_ =	sdelay $0x3  }
0x107: {  	s21 =	sadd.s32 $0x1, s21  }
0x108: {  	_ =	swait.ge [sflag:s20], $0x4000;
	p0 =	sne.s32 s21, s10  }
.Ltmp8:
0x109: {  	[sflag:s20] =	ssyncset.done $0x0;
	(pc) =	sbr.rel @p0 .LBB2_1-.Ltmp8, $4  }
0x10a: {  	[sflag:s20] =	ssyncadd.s32 $0xFFFFC000  }
0x10b: {  	_ =	swait.ge [sflag:s18], $0x4000  }
0x10c: {  	[sflag:s18] =	ssyncset.done $0x0  }
0x10d: {  	[sflag:s18] =	ssyncadd.s32 $0xFFFFC000  }
0x10e: {  	_ =	sfence.sel $0x180000  }
0x10f: {  	[bflag:$0x0] =	sbarrier.arrive $0xFFFF  }
0x110: {  	p0 =	sne.s32 s0, $0x0;
	_ =	strace $0x90000047  }
0x111: {  	s0 =	sadd.s32 @!p0 $0x100000, s1;
	[bflag:$0x2] =	sbarrier.arrive $0xFFFF  }
0x112: {  	[sflag:s0] =	ssyncadd.tile.s32 @!p0 $0x1;
	_ =	shalt  }
.Lfunc_end2:
_tile_overlayer_lowered:
.L_overlay_start_2:
0x113: {  	(tag) =	ssettag $0x2  }
0x114: {  	s0 =	rddreg [dreg:$0x0];
	s2 =	stileid.u32  }
0x115: {  	s1 =	rddreg [dreg:$0x1];
	p0 =	sne.s32 s2, $0x0  }
0x116: {  	s3 =	rddreg [dreg:$0x2];
	[bflag:$0x3] =	sbarrier.arrive $0xFFFF;
	s2 =	simm.s32 @!p0 $0x1C05  }
0x117: {  	[timem:s3], [sflag:s2] =	dma.local @!p0 [hbm:s0], s1  }
0x118: {  	s0 =	simm.s32 @!p0 $0x5  }
0x119: {  	_ =	swait.ge @!p0 [sflag:s0], s1  }
0x11a: {  	s1 =	ssub.s32 @!p0 $0x0, s1;
	[sflag:s0] =	ssyncset.done @!p0 $0x0  }
0x11b: {  	[sflag:s0] =	ssyncadd.s32 @!p0 s1  }
0x11c: {  	[bflag:$0x3] =	sbarrier.arrive $0xFFFF  }
0x11d: {  	_ =	shalt  }

</sc_bundles>
